<compile_context>
chip_gen: v7x
topology: tpu7x:2x2x1
jax: 0.10.2.dev20260603
libtpu: 0.0.44.dev20260713+nightly
codegen_flags: <defaults>
</compile_context>

<pallas_src>
import jax
import jax.numpy as jnp
from jax import lax
from jax.experimental import pallas as pl
from jax.experimental.pallas import tpu as pltpu
from jax.experimental.pallas import tpu_sc as plsc

B = 16384
F = 26
V = 100000
NC = 2
NS = 16
NW = NC * NS
RPW = B // NW
WORDS = RPW * F
L = 16


def _body(xt_hbm, emb_hbm, out_hbm, xcol, valv, outv, sem, fsem):
    c = lax.axis_index("c")
    s = lax.axis_index("s")
    wid = s * NC + c

    def xfire(f, _):
        pltpu.async_copy(
            xt_hbm.at[pl.ds(f * B + wid * RPW, RPW)],
            xcol.at[pl.ds(f * RPW, RPW)],
            sem,
        )
        return 0

    lax.fori_loop(0, F, xfire, 0)
    pltpu.make_async_copy(xt_hbm.at[pl.ds(0, WORDS)], xcol, sem).wait()

    def fire(f, _):
        pltpu.async_copy(
            emb_hbm.at[xcol.at[pl.ds(f * RPW, RPW)]],
            valv.at[pl.ds(f * RPW, RPW)],
            fsem.at[f],
        )
        return 0

    lax.fori_loop(0, F, fire, 0)

    zero = jnp.zeros((L,), jnp.float32)
    for cth in range(RPW // L):
        outv[pl.ds(cth * L, L)] = zero

    def acc(f, _):
        pltpu.make_async_copy(
            emb_hbm.at[pl.ds(0, RPW)], valv.at[pl.ds(f * RPW, RPW)], fsem.at[f]
        ).wait()
        for cth in range(RPW // L):
            outv[pl.ds(cth * L, L)] = (
                outv[pl.ds(cth * L, L)] + valv[pl.ds(f * RPW + cth * L, L)]
            )
        return 0

    lax.fori_loop(0, F, acc, 0)
    pltpu.sync_copy(outv, out_hbm.at[pl.ds(wid * RPW, RPW)])


def kernel(X, emb):
    offs = jnp.arange(F, dtype=jnp.int32)[:, None] * V
    xt = (X.T.astype(jnp.int32) + offs).reshape(-1)
    embp = lax.optimization_barrier(emb[:, :, 0]).reshape(-1)
    mesh = plsc.VectorSubcoreMesh(
        core_axis_name="c", subcore_axis_name="s", num_cores=NC, num_subcores=NS
    )
    out = pl.kernel(
        _body,
        out_type=jax.ShapeDtypeStruct((B,), jnp.float32),
        mesh=mesh,
        scratch_types=[
            pltpu.VMEM((WORDS,), jnp.int32),
            pltpu.VMEM((WORDS,), jnp.float32),
            pltpu.VMEM((RPW,), jnp.float32),
            pltpu.SemaphoreType.DMA,
            pltpu.SemaphoreType.DMA((F,)),
        ],
        compiler_params=pltpu.CompilerParams(needs_layout_passes=False),
    )(xt, embp)
    return out.reshape(B, 1)

# --- scband reference (transcript-rebuilt; emitter-appended) ---
"""Pipeline reference for scband-linear-19018115187263 (READ-ONLY COPY).

The authoritative reference and input builder live on the scoring server;
editing this copy changes nothing except your own understanding.
"""

import jax, jax.numpy as jnp
import numpy as np

B = 16384
F = 26
V = 100000

def setup_inputs(seed: int = 0) -> dict:
    key = jax.random.key(seed)
    k1, k2 = jax.random.split(key)
    X = jax.random.randint(k1, (B, F), 0, V)
    # Linear embedding tables: one [V, 1] table per sparse field, stacked -> [F, V, 1]
    emb = jax.random.normal(k2, (F, V, 1), dtype=jnp.float32) * 1e-4
    return {"X": X, "emb": emb}

def reference(X, emb):
    Bn = X.shape[0]
    # Each sparse field is a length-1 slice of X -> embedding lookup gives [B, 1, 1]
    sparse_embedding_list = [emb[f][X[:, f:f+1]] for f in range(F)]
    # cat along last dim -> [B, 1, F]
    sparse_embedding_cat = jnp.concatenate(sparse_embedding_list, axis=-1)
    # sum over last dim -> [B, 1]
    sparse_feat_logit = jnp.sum(sparse_embedding_cat, axis=-1)
    linear_logit = jnp.zeros((Bn, 1), dtype=jnp.float32) + sparse_feat_logit
    return linear_logit

if __name__ == "__main__":
    import jax
    _d = setup_inputs()
    print(jax.jit(kernel)(*tuple(_d.values())))

</pallas_src>

<mosaic_0001>
#map = affine_map<(d0, d1) -> (0)>
module attributes {stable_mosaic.version = 14 : i64} {
  func.func @_body(%arg0: i32, %arg1: i32, %arg2: memref<425984xi32, #tpu.memory_space<hbm>>, %arg3: memref<2600000xf32, #tpu.memory_space<hbm>>, %arg4: memref<16384xf32, #tpu.memory_space<hbm>>, %arg5: memref<13312xi32, #tpu.memory_space<vmem>>, %arg6: memref<13312xf32, #tpu.memory_space<vmem>>, %arg7: memref<512xf32, #tpu.memory_space<vmem>>, %arg8: memref<!tpu.dma_semaphore, #tpu.memory_space<semaphore_mem>>, %arg9: memref<26x!tpu.dma_semaphore, #tpu.memory_space<semaphore_mem>>) attributes {dimension_semantics = [#tpu.dimension_semantics<core_parallel>, #tpu.dimension_semantics<subcore_parallel>], iteration_bounds = array<i64: 2, 16>, scalar_prefetch = 0 : i64, scratch_operands = 5 : i64, tpu.core_type = #tpu.core_type<sc_vector_subcore>, window_params = [{transform_indices = #map}, {transform_indices = #map}, {transform_indices = #map}]} {
    %mul3A = arith.constant 2 : i32
    %mul3A_0 = arith.muli %arg1, %mul3A : i32
    %add3A = arith.addi %mul3A_0, %arg0 : i32
    %scan3A = arith.constant 0 : i32
    %scan3A_1 = arith.constant 0 : i32
    %scan3A_2 = arith.constant 26 : i32
    %scan3A_3 = arith.addi %scan3A_1, %scan3A_2 : i32
    %scan3A_4 = arith.constant 1 : i32
    %scan3A_5 = scf.for %scan3A_90 = %scan3A_1 to %scan3A_3 step %scan3A_4 iter_args(%scan3A_91 = %scan3A) -> (i32)  : i32 {
      %mul3A_92 = arith.constant 16384 : i32
      %mul3A_93 = arith.muli %scan3A_90, %mul3A_92 : i32
      %mul3A_94 = arith.constant 512 : i32
      %mul3A_95 = arith.muli %add3A, %mul3A_94 : i32
      %add3A_96 = arith.addi %mul3A_93, %mul3A_95 : i32
      %mul3A_97 = arith.constant 512 : i32
      %mul3A_98 = arith.muli %scan3A_90, %mul3A_97 : i32
      %dma_start3A = tpu.memref_slice %arg5[%mul3A_98] : memref<13312xi32, #tpu.memory_space<vmem>> -> memref<512xi32, #tpu.memory_space<vmem>>
      %dma_start3A_99 = tpu.memref_slice %arg2[%add3A_96] : memref<425984xi32, #tpu.memory_space<hbm>> -> memref<512xi32, #tpu.memory_space<hbm>>
      %dma_start3A_100 = tpu.memref_slice %arg5[%mul3A_98] : memref<13312xi32, #tpu.memory_space<vmem>> -> memref<512xi32, #tpu.memory_space<vmem>>
      %dma_start3A_101 = tpu.memref_slice %arg2[%add3A_96] : memref<425984xi32, #tpu.memory_space<hbm>> -> memref<512xi32, #tpu.memory_space<hbm>>
      tpu.enqueue_dma source(%dma_start3A_101 : memref<512xi32, #tpu.memory_space<hbm>>) target(%dma_start3A_100 : memref<512xi32, #tpu.memory_space<vmem>>) target_semaphore(%arg8 : memref<!tpu.dma_semaphore, #tpu.memory_space<semaphore_mem>>)
      %scan3A_102 = arith.constant 0 : i32
      scf.yield %scan3A_102 : i32
    }
    %scan3A_6 = arith.constant 26 : i32
    %dma_wait3A = arith.constant 0 : i32
    %dma_wait3A_7 = tpu.memref_slice %arg2[%dma_wait3A] : memref<425984xi32, #tpu.memory_space<hbm>> -> memref<13312xi32, #tpu.memory_space<hbm>>
    %dma_wait3A_8 = arith.constant 0 : i32
    %dma_wait3A_9 = tpu.memref_slice %arg2[%dma_wait3A_8] : memref<425984xi32, #tpu.memory_space<hbm>> -> memref<13312xi32, #tpu.memory_space<hbm>>
    tpu.wait_dma2 semaphore(%arg8 : memref<!tpu.dma_semaphore, #tpu.memory_space<semaphore_mem>>) src(%dma_wait3A_9 : memref<13312xi32, #tpu.memory_space<hbm>>) dst(%arg5 : memref<13312xi32, #tpu.memory_space<vmem>>)
    %scan3A_10 = arith.constant 0 : i32
    %scan3A_11 = arith.constant 0 : i32
    %scan3A_12 = arith.constant 26 : i32
    %scan3A_13 = arith.addi %scan3A_11, %scan3A_12 : i32
    %scan3A_14 = arith.constant 1 : i32
    %scan3A_15 = scf.for %scan3A_90 = %scan3A_11 to %scan3A_13 step %scan3A_14 iter_args(%scan3A_91 = %scan3A_10) -> (i32)  : i32 {
      %mul3A_92 = arith.constant 512 : i32
      %mul3A_93 = arith.muli %scan3A_90, %mul3A_92 : i32
      %mul3A_94 = arith.constant 512 : i32
      %mul3A_95 = arith.muli %scan3A_90, %mul3A_94 : i32
      %dma_start3A = tpu.memref_slice %arg6[%mul3A_95] : memref<13312xf32, #tpu.memory_space<vmem>> -> memref<512xf32, #tpu.memory_space<vmem>>
      %dma_start3A_96 = tpu.memref_slice %arg5[%mul3A_93] : memref<13312xi32, #tpu.memory_space<vmem>> -> memref<512xi32, #tpu.memory_space<vmem>>
      %dma_start3A_97 = arith.constant 0 : i32
      %dma_start3A_98 = tpu.memref_slice %arg3[%dma_start3A_97] : memref<2600000xf32, #tpu.memory_space<hbm>> -> memref<2600000xf32, #tpu.memory_space<hbm>>
      %dma_start3A_99 = tpu.memref_slice %arg9[%scan3A_90] : memref<26x!tpu.dma_semaphore, #tpu.memory_space<semaphore_mem>> -> memref<1x!tpu.dma_semaphore, #tpu.memory_space<semaphore_mem>>
      %dma_start3A_100 = tpu.memref_squeeze %dma_start3A_99 : memref<1x!tpu.dma_semaphore, #tpu.memory_space<semaphore_mem>> -> memref<!tpu.dma_semaphore, #tpu.memory_space<semaphore_mem>>
      tpu.enqueue_indirect_dma source(%dma_start3A_98 : memref<2600000xf32, #tpu.memory_space<hbm>>) target(%dma_start3A : memref<512xf32, #tpu.memory_space<vmem>>) offsets(%dma_start3A_96 : memref<512xi32, #tpu.memory_space<vmem>>) semaphore(%dma_start3A_100 : memref<!tpu.dma_semaphore, #tpu.memory_space<semaphore_mem>>)
      %scan3A_101 = arith.constant 0 : i32
      scf.yield %scan3A_101 : i32
    }
    %scan3A_16 = arith.constant 26 : i32
    %broadcast_in_dim3A = arith.constant 0.000000e+00 : f32
    %broadcast_in_dim3A_17 = vector.broadcast %broadcast_in_dim3A : f32 to vector<16xf32>
    %swap3A = arith.constant 0 : index
    %swap3A_18 = tpu.vector_load %arg7[%swap3A] {strides = array<i32>} : memref<512xf32, #tpu.memory_space<vmem>>, vector<16xf32>,
    tpu.vector_store %arg7[%swap3A], %broadcast_in_dim3A_17 {strides = array<i32>} : memref<512xf32, #tpu.memory_space<vmem>>, vector<16xf32>,
    %swap3A_19 = arith.constant 16 : index
    %swap3A_20 = tpu.vector_load %arg7[%swap3A_19] {strides = array<i32>} : memref<512xf32, #tpu.memory_space<vmem>>, vector<16xf32>,
    tpu.vector_store %arg7[%swap3A_19], %broadcast_in_dim3A_17 {strides = array<i32>} : memref<512xf32, #tpu.memory_space<vmem>>, vector<16xf32>,
    %swap3A_21 = arith.constant 32 : index
    %swap3A_22 = tpu.vector_load %arg7[%swap3A_21] {strides = array<i32>} : memref<512xf32, #tpu.memory_space<vmem>>, vector<16xf32>,
    tpu.vector_store %arg7[%swap3A_21], %broadcast_in_dim3A_17 {strides = array<i32>} : memref<512xf32, #tpu.memory_space<vmem>>, vector<16xf32>,
    %swap3A_23 = arith.constant 48 : index
    %swap3A_24 = tpu.vector_load %arg7[%swap3A_23] {strides = array<i32>} : memref<512xf32, #tpu.memory_space<vmem>>, vector<16xf32>,
    tpu.vector_store %arg7[%swap3A_23], %broadcast_in_dim3A_17 {strides = array<i32>} : memref<512xf32, #tpu.memory_space<vmem>>, vector<16xf32>,
    %swap3A_25 = arith.constant 64 : index
    %swap3A_26 = tpu.vector_load %arg7[%swap3A_25] {strides = array<i32>} : memref<512xf32, #tpu.memory_space<vmem>>, vector<16xf32>,
    tpu.vector_store %arg7[%swap3A_25], %broadcast_in_dim3A_17 {strides = array<i32>} : memref<512xf32, #tpu.memory_space<vmem>>, vector<16xf32>,
    %swap3A_27 = arith.constant 80 : index
    %swap3A_28 = tpu.vector_load %arg7[%swap3A_27] {strides = array<i32>} : memref<512xf32, #tpu.memory_space<vmem>>, vector<16xf32>,
    tpu.vector_store %arg7[%swap3A_27], %broadcast_in_dim3A_17 {strides = array<i32>} : memref<512xf32, #tpu.memory_space<vmem>>, vector<16xf32>,
    %swap3A_29 = arith.constant 96 : index
    %swap3A_30 = tpu.vector_load %arg7[%swap3A_29] {strides = array<i32>} : memref<512xf32, #tpu.memory_space<vmem>>, vector<16xf32>,
    tpu.vector_store %arg7[%swap3A_29], %broadcast_in_dim3A_17 {strides = array<i32>} : memref<512xf32, #tpu.memory_space<vmem>>, vector<16xf32>,
    %swap3A_31 = arith.constant 112 : index
    %swap3A_32 = tpu.vector_load %arg7[%swap3A_31] {strides = array<i32>} : memref<512xf32, #tpu.memory_space<vmem>>, vector<16xf32>,
    tpu.vector_store %arg7[%swap3A_31], %broadcast_in_dim3A_17 {strides = array<i32>} : memref<512xf32, #tpu.memory_space<vmem>>, vector<16xf32>,
    %swap3A_33 = arith.constant 128 : index
    %swap3A_34 = tpu.vector_load %arg7[%swap3A_33] {strides = array<i32>} : memref<512xf32, #tpu.memory_space<vmem>>, vector<16xf32>,
    tpu.vector_store %arg7[%swap3A_33], %broadcast_in_dim3A_17 {strides = array<i32>} : memref<512xf32, #tpu.memory_space<vmem>>, vector<16xf32>,
    %swap3A_35 = arith.constant 144 : index
    %swap3A_36 = tpu.vector_load %arg7[%swap3A_35] {strides = array<i32>} : memref<512xf32, #tpu.memory_space<vmem>>, vector<16xf32>,
    tpu.vector_store %arg7[%swap3A_35], %broadcast_in_dim3A_17 {strides = array<i32>} : memref<512xf32, #tpu.memory_space<vmem>>, vector<16xf32>,
    %swap3A_37 = arith.constant 160 : index
    %swap3A_38 = tpu.vector_load %arg7[%swap3A_37] {strides = array<i32>} : memref<512xf32, #tpu.memory_space<vmem>>, vector<16xf32>,
    tpu.vector_store %arg7[%swap3A_37], %broadcast_in_dim3A_17 {strides = array<i32>} : memref<512xf32, #tpu.memory_space<vmem>>, vector<16xf32>,
    %swap3A_39 = arith.constant 176 : index
    %swap3A_40 = tpu.vector_load %arg7[%swap3A_39] {strides = array<i32>} : memref<512xf32, #tpu.memory_space<vmem>>, vector<16xf32>,
    tpu.vector_store %arg7[%swap3A_39], %broadcast_in_dim3A_17 {strides = array<i32>} : memref<512xf32, #tpu.memory_space<vmem>>, vector<16xf32>,
    %swap3A_41 = arith.constant 192 : index
    %swap3A_42 = tpu.vector_load %arg7[%swap3A_41] {strides = array<i32>} : memref<512xf32, #tpu.memory_space<vmem>>, vector<16xf32>,
    tpu.vector_store %arg7[%swap3A_41], %broadcast_in_dim3A_17 {strides = array<i32>} : memref<512xf32, #tpu.memory_space<vmem>>, vector<16xf32>,
    %swap3A_43 = arith.constant 208 : index
    %swap3A_44 = tpu.vector_load %arg7[%swap3A_43] {strides = array<i32>} : memref<512xf32, #tpu.memory_space<vmem>>, vector<16xf32>,
    tpu.vector_store %arg7[%swap3A_43], %broadcast_in_dim3A_17 {strides = array<i32>} : memref<512xf32, #tpu.memory_space<vmem>>, vector<16xf32>,
    %swap3A_45 = arith.constant 224 : index
    %swap3A_46 = tpu.vector_load %arg7[%swap3A_45] {strides = array<i32>} : memref<512xf32, #tpu.memory_space<vmem>>, vector<16xf32>,
    tpu.vector_store %arg7[%swap3A_45], %broadcast_in_dim3A_17 {strides = array<i32>} : memref<512xf32, #tpu.memory_space<vmem>>, vector<16xf32>,
    %swap3A_47 = arith.constant 240 : index
    %swap3A_48 = tpu.vector_load %arg7[%swap3A_47] {strides = array<i32>} : memref<512xf32, #tpu.memory_space<vmem>>, vector<16xf32>,
    tpu.vector_store %arg7[%swap3A_47], %broadcast_in_dim3A_17 {strides = array<i32>} : memref<512xf32, #tpu.memory_space<vmem>>, vector<16xf32>,
    %swap3A_49 = arith.constant 256 : index
    %swap3A_50 = tpu.vector_load %arg7[%swap3A_49] {strides = array<i32>} : memref<512xf32, #tpu.memory_space<vmem>>, vector<16xf32>,
    tpu.vector_store %arg7[%swap3A_49], %broadcast_in_dim3A_17 {strides = array<i32>} : memref<512xf32, #tpu.memory_space<vmem>>, vector<16xf32>,
    %swap3A_51 = arith.constant 272 : index
    %swap3A_52 = tpu.vector_load %arg7[%swap3A_51] {strides = array<i32>} : memref<512xf32, #tpu.memory_space<vmem>>, vector<16xf32>,
    tpu.vector_store %arg7[%swap3A_51], %broadcast_in_dim3A_17 {strides = array<i32>} : memref<512xf32, #tpu.memory_space<vmem>>, vector<16xf32>,
    %swap3A_53 = arith.constant 288 : index
    %swap3A_54 = tpu.vector_load %arg7[%swap3A_53] {strides = array<i32>} : memref<512xf32, #tpu.memory_space<vmem>>, vector<16xf32>,
    tpu.vector_store %arg7[%swap3A_53], %broadcast_in_dim3A_17 {strides = array<i32>} : memref<512xf32, #tpu.memory_space<vmem>>, vector<16xf32>,
    %swap3A_55 = arith.constant 304 : index
    %swap3A_56 = tpu.vector_load %arg7[%swap3A_55] {strides = array<i32>} : memref<512xf32, #tpu.memory_space<vmem>>, vector<16xf32>,
    tpu.vector_store %arg7[%swap3A_55], %broadcast_in_dim3A_17 {strides = array<i32>} : memref<512xf32, #tpu.memory_space<vmem>>, vector<16xf32>,
    %swap3A_57 = arith.constant 320 : index
    %swap3A_58 = tpu.vector_load %arg7[%swap3A_57] {strides = array<i32>} : memref<512xf32, #tpu.memory_space<vmem>>, vector<16xf32>,
    tpu.vector_store %arg7[%swap3A_57], %broadcast_in_dim3A_17 {strides = array<i32>} : memref<512xf32, #tpu.memory_space<vmem>>, vector<16xf32>,
    %swap3A_59 = arith.constant 336 : index
    %swap3A_60 = tpu.vector_load %arg7[%swap3A_59] {strides = array<i32>} : memref<512xf32, #tpu.memory_space<vmem>>, vector<16xf32>,
    tpu.vector_store %arg7[%swap3A_59], %broadcast_in_dim3A_17 {strides = array<i32>} : memref<512xf32, #tpu.memory_space<vmem>>, vector<16xf32>,
    %swap3A_61 = arith.constant 352 : index
    %swap3A_62 = tpu.vector_load %arg7[%swap3A_61] {strides = array<i32>} : memref<512xf32, #tpu.memory_space<vmem>>, vector<16xf32>,
    tpu.vector_store %arg7[%swap3A_61], %broadcast_in_dim3A_17 {strides = array<i32>} : memref<512xf32, #tpu.memory_space<vmem>>, vector<16xf32>,
    %swap3A_63 = arith.constant 368 : index
    %swap3A_64 = tpu.vector_load %arg7[%swap3A_63] {strides = array<i32>} : memref<512xf32, #tpu.memory_space<vmem>>, vector<16xf32>,
    tpu.vector_store %arg7[%swap3A_63], %broadcast_in_dim3A_17 {strides = array<i32>} : memref<512xf32, #tpu.memory_space<vmem>>, vector<16xf32>,
    %swap3A_65 = arith.constant 384 : index
    %swap3A_66 = tpu.vector_load %arg7[%swap3A_65] {strides = array<i32>} : memref<512xf32, #tpu.memory_space<vmem>>, vector<16xf32>,
    tpu.vector_store %arg7[%swap3A_65], %broadcast_in_dim3A_17 {strides = array<i32>} : memref<512xf32, #tpu.memory_space<vmem>>, vector<16xf32>,
    %swap3A_67 = arith.constant 400 : index
    %swap3A_68 = tpu.vector_load %arg7[%swap3A_67] {strides = array<i32>} : memref<512xf32, #tpu.memory_space<vmem>>, vector<16xf32>,
    tpu.vector_store %arg7[%swap3A_67], %broadcast_in_dim3A_17 {strides = array<i32>} : memref<512xf32, #tpu.memory_space<vmem>>, vector<16xf32>,
    %swap3A_69 = arith.constant 416 : index
    %swap3A_70 = tpu.vector_load %arg7[%swap3A_69] {strides = array<i32>} : memref<512xf32, #tpu.memory_space<vmem>>, vector<16xf32>,
    tpu.vector_store %arg7[%swap3A_69], %broadcast_in_dim3A_17 {strides = array<i32>} : memref<512xf32, #tpu.memory_space<vmem>>, vector<16xf32>,
    %swap3A_71 = arith.constant 432 : index
    %swap3A_72 = tpu.vector_load %arg7[%swap3A_71] {strides = array<i32>} : memref<512xf32, #tpu.memory_space<vmem>>, vector<16xf32>,
    tpu.vector_store %arg7[%swap3A_71], %broadcast_in_dim3A_17 {strides = array<i32>} : memref<512xf32, #tpu.memory_space<vmem>>, vector<16xf32>,
    %swap3A_73 = arith.constant 448 : index
    %swap3A_74 = tpu.vector_load %arg7[%swap3A_73] {strides = array<i32>} : memref<512xf32, #tpu.memory_space<vmem>>, vector<16xf32>,
    tpu.vector_store %arg7[%swap3A_73], %broadcast_in_dim3A_17 {strides = array<i32>} : memref<512xf32, #tpu.memory_space<vmem>>, vector<16xf32>,
    %swap3A_75 = arith.constant 464 : index
    %swap3A_76 = tpu.vector_load %arg7[%swap3A_75] {strides = array<i32>} : memref<512xf32, #tpu.memory_space<vmem>>, vector<16xf32>,
    tpu.vector_store %arg7[%swap3A_75], %broadcast_in_dim3A_17 {strides = array<i32>} : memref<512xf32, #tpu.memory_space<vmem>>, vector<16xf32>,
    %swap3A_77 = arith.constant 480 : index
    %swap3A_78 = tpu.vector_load %arg7[%swap3A_77] {strides = array<i32>} : memref<512xf32, #tpu.memory_space<vmem>>, vector<16xf32>,
    tpu.vector_store %arg7[%swap3A_77], %broadcast_in_dim3A_17 {strides = array<i32>} : memref<512xf32, #tpu.memory_space<vmem>>, vector<16xf32>,
    %swap3A_79 = arith.constant 496 : index
    %swap3A_80 = tpu.vector_load %arg7[%swap3A_79] {strides = array<i32>} : memref<512xf32, #tpu.memory_space<vmem>>, vector<16xf32>,
    tpu.vector_store %arg7[%swap3A_79], %broadcast_in_dim3A_17 {strides = array<i32>} : memref<512xf32, #tpu.memory_space<vmem>>, vector<16xf32>,
    %scan3A_81 = arith.constant 0 : i32
    %scan3A_82 = arith.constant 0 : i32
    %scan3A_83 = arith.constant 26 : i32
    %scan3A_84 = arith.addi %scan3A_82, %scan3A_83 : i32
    %scan3A_85 = arith.constant 1 : i32
    %scan3A_86 = scf.for %scan3A_90 = %scan3A_82 to %scan3A_84 step %scan3A_85 iter_args(%scan3A_91 = %scan3A_81) -> (i32)  : i32 {
      %mul3A_92 = arith.constant 512 : i32
      %mul3A_93 = arith.muli %scan3A_90, %mul3A_92 : i32
      %dma_wait3A_94 = tpu.memref_slice %arg6[%mul3A_93] : memref<13312xf32, #tpu.memory_space<vmem>> -> memref<512xf32, #tpu.memory_space<vmem>>
      %dma_wait3A_95 = arith.constant 0 : i32
      %dma_wait3A_96 = tpu.memref_slice %arg3[%dma_wait3A_95] : memref<2600000xf32, #tpu.memory_space<hbm>> -> memref<512xf32, #tpu.memory_space<hbm>>
      %dma_wait3A_97 = tpu.memref_slice %arg9[%scan3A_90] : memref<26x!tpu.dma_semaphore, #tpu.memory_space<semaphore_mem>> -> memref<1x!tpu.dma_semaphore, #tpu.memory_space<semaphore_mem>>
      %dma_wait3A_98 = tpu.memref_squeeze %dma_wait3A_97 : memref<1x!tpu.dma_semaphore, #tpu.memory_space<semaphore_mem>> -> memref<!tpu.dma_semaphore, #tpu.memory_space<semaphore_mem>>
      %dma_wait3A_99 = tpu.memref_slice %arg6[%mul3A_93] : memref<13312xf32, #tpu.memory_space<vmem>> -> memref<512xf32, #tpu.memory_space<vmem>>
      %dma_wait3A_100 = arith.constant 0 : i32
      %dma_wait3A_101 = tpu.memref_slice %arg3[%dma_wait3A_100] : memref<2600000xf32, #tpu.memory_space<hbm>> -> memref<512xf32, #tpu.memory_space<hbm>>
      tpu.wait_dma2 semaphore(%dma_wait3A_98 : memref<!tpu.dma_semaphore, #tpu.memory_space<semaphore_mem>>) src(%dma_wait3A_101 : memref<512xf32, #tpu.memory_space<hbm>>) dst(%dma_wait3A_99 : memref<512xf32, #tpu.memory_space<vmem>>)
      %get3A = arith.constant 0 : index
      %get3A_102 = tpu.vector_load %arg7[%get3A] {strides = array<i32>} : memref<512xf32, #tpu.memory_space<vmem>>, vector<16xf32>,
      %mul3A_103 = arith.constant 512 : i32
      %mul3A_104 = arith.muli %scan3A_90, %mul3A_103 : i32
      %add3A_105 = arith.constant 0 : i32
      %add3A_106 = arith.addi %mul3A_104, %add3A_105 : i32
      %get3A_107 = arith.index_cast %add3A_106 : i32 to index
      %get3A_108 = tpu.vector_load %arg6[%get3A_107] {strides = array<i32>} : memref<13312xf32, #tpu.memory_space<vmem>>, vector<16xf32>,
      %add3A_109 = arith.addf %get3A_102, %get3A_108 : vector<16xf32>
      %swap3A_110 = arith.constant 0 : index
      %swap3A_111 = tpu.vector_load %arg7[%swap3A_110] {strides = array<i32>} : memref<512xf32, #tpu.memory_space<vmem>>, vector<16xf32>,
      tpu.vector_store %arg7[%swap3A_110], %add3A_109 {strides = array<i32>} : memref<512xf32, #tpu.memory_space<vmem>>, vector<16xf32>,
      %get3A_112 = arith.constant 16 : index
      %get3A_113 = tpu.vector_load %arg7[%get3A_112] {strides = array<i32>} : memref<512xf32, #tpu.memory_space<vmem>>, vector<16xf32>,
      %mul3A_114 = arith.constant 512 : i32
      %mul3A_115 = arith.muli %scan3A_90, %mul3A_114 : i32
      %add3A_116 = arith.constant 16 : i32
      %add3A_117 = arith.addi %mul3A_115, %add3A_116 : i32
      %get3A_118 = arith.index_cast %add3A_117 : i32 to index
      %get3A_119 = tpu.vector_load %arg6[%get3A_118] {strides = array<i32>} : memref<13312xf32, #tpu.memory_space<vmem>>, vector<16xf32>,
      %add3A_120 = arith.addf %get3A_113, %get3A_119 : vector<16xf32>
      %swap3A_121 = arith.constant 16 : index
      %swap3A_122 = tpu.vector_load %arg7[%swap3A_121] {strides = array<i32>} : memref<512xf32, #tpu.memory_space<vmem>>, vector<16xf32>,
      tpu.vector_store %arg7[%swap3A_121], %add3A_120 {strides = array<i32>} : memref<512xf32, #tpu.memory_space<vmem>>, vector<16xf32>,
      %get3A_123 = arith.constant 32 : index
      %get3A_124 = tpu.vector_load %arg7[%get3A_123] {strides = array<i32>} : memref<512xf32, #tpu.memory_space<vmem>>, vector<16xf32>,
      %mul3A_125 = arith.constant 512 : i32
      %mul3A_126 = arith.muli %scan3A_90, %mul3A_125 : i32
      %add3A_127 = arith.constant 32 : i32
      %add3A_128 = arith.addi %mul3A_126, %add3A_127 : i32
      %get3A_129 = arith.index_cast %add3A_128 : i32 to index
      %get3A_130 = tpu.vector_load %arg6[%get3A_129] {strides = array<i32>} : memref<13312xf32, #tpu.memory_space<vmem>>, vector<16xf32>,
      %add3A_131 = arith.addf %get3A_124, %get3A_130 : vector<16xf32>
      %swap3A_132 = arith.constant 32 : index
      %swap3A_133 = tpu.vector_load %arg7[%swap3A_132] {strides = array<i32>} : memref<512xf32, #tpu.memory_space<vmem>>, vector<16xf32>,
      tpu.vector_store %arg7[%swap3A_132], %add3A_131 {strides = array<i32>} : memref<512xf32, #tpu.memory_space<vmem>>, vector<16xf32>,
      %get3A_134 = arith.constant 48 : index
      %get3A_135 = tpu.vector_load %arg7[%get3A_134] {strides = array<i32>} : memref<512xf32, #tpu.memory_space<vmem>>, vector<16xf32>,
      %mul3A_136 = arith.constant 512 : i32
      %mul3A_137 = arith.muli %scan3A_90, %mul3A_136 : i32
      %add3A_138 = arith.constant 48 : i32
      %add3A_139 = arith.addi %mul3A_137, %add3A_138 : i32
      %get3A_140 = arith.index_cast %add3A_139 : i32 to index
      %get3A_141 = tpu.vector_load %arg6[%get3A_140] {strides = array<i32>} : memref<13312xf32, #tpu.memory_space<vmem>>, vector<16xf32>,
      %add3A_142 = arith.addf %get3A_135, %get3A_141 : vector<16xf32>
      %swap3A_143 = arith.constant 48 : index
      %swap3A_144 = tpu.vector_load %arg7[%swap3A_143] {strides = array<i32>} : memref<512xf32, #tpu.memory_space<vmem>>, vector<16xf32>,
      tpu.vector_store %arg7[%swap3A_143], %add3A_142 {strides = array<i32>} : memref<512xf32, #tpu.memory_space<vmem>>, vector<16xf32>,
      %get3A_145 = arith.constant 64 : index
      %get3A_146 = tpu.vector_load %arg7[%get3A_145] {strides = array<i32>} : memref<512xf32, #tpu.memory_space<vmem>>, vector<16xf32>,
      %mul3A_147 = arith.constant 512 : i32
      %mul3A_148 = arith.muli %scan3A_90, %mul3A_147 : i32
      %add3A_149 = arith.constant 64 : i32
      %add3A_150 = arith.addi %mul3A_148, %add3A_149 : i32
      %get3A_151 = arith.index_cast %add3A_150 : i32 to index
      %get3A_152 = tpu.vector_load %arg6[%get3A_151] {strides = array<i32>} : memref<13312xf32, #tpu.memory_space<vmem>>, vector<16xf32>,
      %add3A_153 = arith.addf %get3A_146, %get3A_152 : vector<16xf32>
      %swap3A_154 = arith.constant 64 : index
      %swap3A_155 = tpu.vector_load %arg7[%swap3A_154] {strides = array<i32>} : memref<512xf32, #tpu.memory_space<vmem>>, vector<16xf32>,
      tpu.vector_store %arg7[%swap3A_154], %add3A_153 {strides = array<i32>} : memref<512xf32, #tpu.memory_space<vmem>>, vector<16xf32>,
      %get3A_156 = arith.constant 80 : index
      %get3A_157 = tpu.vector_load %arg7[%get3A_156] {strides = array<i32>} : memref<512xf32, #tpu.memory_space<vmem>>, vector<16xf32>,
      %mul3A_158 = arith.constant 512 : i32
      %mul3A_159 = arith.muli %scan3A_90, %mul3A_158 : i32
      %add3A_160 = arith.constant 80 : i32
      %add3A_161 = arith.addi %mul3A_159, %add3A_160 : i32
      %get3A_162 = arith.index_cast %add3A_161 : i32 to index
      %get3A_163 = tpu.vector_load %arg6[%get3A_162] {strides = array<i32>} : memref<13312xf32, #tpu.memory_space<vmem>>, vector<16xf32>,
      %add3A_164 = arith.addf %get3A_157, %get3A_163 : vector<16xf32>
      %swap3A_165 = arith.constant 80 : index
      %swap3A_166 = tpu.vector_load %arg7[%swap3A_165] {strides = array<i32>} : memref<512xf32, #tpu.memory_space<vmem>>, vector<16xf32>,
      tpu.vector_store %arg7[%swap3A_165], %add3A_164 {strides = array<i32>} : memref<512xf32, #tpu.memory_space<vmem>>, vector<16xf32>,
      %get3A_167 = arith.constant 96 : index
      %get3A_168 = tpu.vector_load %arg7[%get3A_167] {strides = array<i32>} : memref<512xf32, #tpu.memory_space<vmem>>, vector<16xf32>,
      %mul3A_169 = arith.constant 512 : i32
      %mul3A_170 = arith.muli %scan3A_90, %mul3A_169 : i32
      %add3A_171 = arith.constant 96 : i32
      %add3A_172 = arith.addi %mul3A_170, %add3A_171 : i32
      %get3A_173 = arith.index_cast %add3A_172 : i32 to index
      %get3A_174 = tpu.vector_load %arg6[%get3A_173] {strides = array<i32>} : memref<13312xf32, #tpu.memory_space<vmem>>, vector<16xf32>,
      %add3A_175 = arith.addf %get3A_168, %get3A_174 : vector<16xf32>
      %swap3A_176 = arith.constant 96 : index
      %swap3A_177 = tpu.vector_load %arg7[%swap3A_176] {strides = array<i32>} : memref<512xf32, #tpu.memory_space<vmem>>, vector<16xf32>,
      tpu.vector_store %arg7[%swap3A_176], %add3A_175 {strides = array<i32>} : memref<512xf32, #tpu.memory_space<vmem>>, vector<16xf32>,
      %get3A_178 = arith.constant 112 : index
      %get3A_179 = tpu.vector_load %arg7[%get3A_178] {strides = array<i32>} : memref<512xf32, #tpu.memory_space<vmem>>, vector<16xf32>,
      %mul3A_180 = arith.constant 512 : i32
      %mul3A_181 = arith.muli %scan3A_90, %mul3A_180 : i32
      %add3A_182 = arith.constant 112 : i32
      %add3A_183 = arith.addi %mul3A_181, %add3A_182 : i32
      %get3A_184 = arith.index_cast %add3A_183 : i32 to index
      %get3A_185 = tpu.vector_load %arg6[%get3A_184] {strides = array<i32>} : memref<13312xf32, #tpu.memory_space<vmem>>, vector<16xf32>,
      %add3A_186 = arith.addf %get3A_179, %get3A_185 : vector<16xf32>
      %swap3A_187 = arith.constant 112 : index
      %swap3A_188 = tpu.vector_load %arg7[%swap3A_187] {strides = array<i32>} : memref<512xf32, #tpu.memory_space<vmem>>, vector<16xf32>,
      tpu.vector_store %arg7[%swap3A_187], %add3A_186 {strides = array<i32>} : memref<512xf32, #tpu.memory_space<vmem>>, vector<16xf32>,
      %get3A_189 = arith.constant 128 : index
      %get3A_190 = tpu.vector_load %arg7[%get3A_189] {strides = array<i32>} : memref<512xf32, #tpu.memory_space<vmem>>, vector<16xf32>,
      %mul3A_191 = arith.constant 512 : i32
      %mul3A_192 = arith.muli %scan3A_90, %mul3A_191 : i32
      %add3A_193 = arith.constant 128 : i32
      %add3A_194 = arith.addi %mul3A_192, %add3A_193 : i32
      %get3A_195 = arith.index_cast %add3A_194 : i32 to index
      %get3A_196 = tpu.vector_load %arg6[%get3A_195] {strides = array<i32>} : memref<13312xf32, #tpu.memory_space<vmem>>, vector<16xf32>,
      %add3A_197 = arith.addf %get3A_190, %get3A_196 : vector<16xf32>
      %swap3A_198 = arith.constant 128 : index
      %swap3A_199 = tpu.vector_load %arg7[%swap3A_198] {strides = array<i32>} : memref<512xf32, #tpu.memory_space<vmem>>, vector<16xf32>,
      tpu.vector_store %arg7[%swap3A_198], %add3A_197 {strides = array<i32>} : memref<512xf32, #tpu.memory_space<vmem>>, vector<16xf32>,
      %get3A_200 = arith.constant 144 : index
      %get3A_201 = tpu.vector_load %arg7[%get3A_200] {strides = array<i32>} : memref<512xf32, #tpu.memory_space<vmem>>, vector<16xf32>,
      %mul3A_202 = arith.constant 512 : i32
      %mul3A_203 = arith.muli %scan3A_90, %mul3A_202 : i32
      %add3A_204 = arith.constant 144 : i32
      %add3A_205 = arith.addi %mul3A_203, %add3A_204 : i32
      %get3A_206 = arith.index_cast %add3A_205 : i32 to index
      %get3A_207 = tpu.vector_load %arg6[%get3A_206] {strides = array<i32>} : memref<13312xf32, #tpu.memory_space<vmem>>, vector<16xf32>,
      %add3A_208 = arith.addf %get3A_201, %get3A_207 : vector<16xf32>
      %swap3A_209 = arith.constant 144 : index
      %swap3A_210 = tpu.vector_load %arg7[%swap3A_209] {strides = array<i32>} : memref<512xf32, #tpu.memory_space<vmem>>, vector<16xf32>,
      tpu.vector_store %arg7[%swap3A_209], %add3A_208 {strides = array<i32>} : memref<512xf32, #tpu.memory_space<vmem>>, vector<16xf32>,
      %get3A_211 = arith.constant 160 : index
      %get3A_212 = tpu.vector_load %arg7[%get3A_211] {strides = array<i32>} : memref<512xf32, #tpu.memory_space<vmem>>, vector<16xf32>,
      %mul3A_213 = arith.constant 512 : i32
      %mul3A_214 = arith.muli %scan3A_90, %mul3A_213 : i32
      %add3A_215 = arith.constant 160 : i32
      %add3A_216 = arith.addi %mul3A_214, %add3A_215 : i32
      %get3A_217 = arith.index_cast %add3A_216 : i32 to index
      %get3A_218 = tpu.vector_load %arg6[%get3A_217] {strides = array<i32>} : memref<13312xf32, #tpu.memory_space<vmem>>, vector<16xf32>,
      %add3A_219 = arith.addf %get3A_212, %get3A_218 : vector<16xf32>
      %swap3A_220 = arith.constant 160 : index
      %swap3A_221 = tpu.vector_load %arg7[%swap3A_220] {strides = array<i32>} : memref<512xf32, #tpu.memory_space<vmem>>, vector<16xf32>,
      tpu.vector_store %arg7[%swap3A_220], %add3A_219 {strides = array<i32>} : memref<512xf32, #tpu.memory_space<vmem>>, vector<16xf32>,
      %get3A_222 = arith.constant 176 : index
      %get3A_223 = tpu.vector_load %arg7[%get3A_222] {strides = array<i32>} : memref<512xf32, #tpu.memory_space<vmem>>, vector<16xf32>,
      %mul3A_224 = arith.constant 512 : i32
      %mul3A_225 = arith.muli %scan3A_90, %mul3A_224 : i32
      %add3A_226 = arith.constant 176 : i32
      %add3A_227 = arith.addi %mul3A_225, %add3A_226 : i32
      %get3A_228 = arith.index_cast %add3A_227 : i32 to index
      %get3A_229 = tpu.vector_load %arg6[%get3A_228] {strides = array<i32>} : memref<13312xf32, #tpu.memory_space<vmem>>, vector<16xf32>,
      %add3A_230 = arith.addf %get3A_223, %get3A_229 : vector<16xf32>
      %swap3A_231 = arith.constant 176 : index
      %swap3A_232 = tpu.vector_load %arg7[%swap3A_231] {strides = array<i32>} : memref<512xf32, #tpu.memory_space<vmem>>, vector<16xf32>,
      tpu.vector_store %arg7[%swap3A_231], %add3A_230 {strides = array<i32>} : memref<512xf32, #tpu.memory_space<vmem>>, vector<16xf32>,
      %get3A_233 = arith.constant 192 : index
      %get3A_234 = tpu.vector_load %arg7[%get3A_233] {strides = array<i32>} : memref<512xf32, #tpu.memory_space<vmem>>, vector<16xf32>,
      %mul3A_235 = arith.constant 512 : i32
      %mul3A_236 = arith.muli %scan3A_90, %mul3A_235 : i32
      %add3A_237 = arith.constant 192 : i32
      %add3A_238 = arith.addi %mul3A_236, %add3A_237 : i32
      %get3A_239 = arith.index_cast %add3A_238 : i32 to index
      %get3A_240 = tpu.vector_load %arg6[%get3A_239] {strides = array<i32>} : memref<13312xf32, #tpu.memory_space<vmem>>, vector<16xf32>,
      %add3A_241 = arith.addf %get3A_234, %get3A_240 : vector<16xf32>
      %swap3A_242 = arith.constant 192 : index
      %swap3A_243 = tpu.vector_load %arg7[%swap3A_242] {strides = array<i32>} : memref<512xf32, #tpu.memory_space<vmem>>, vector<16xf32>,
      tpu.vector_store %arg7[%swap3A_242], %add3A_241 {strides = array<i32>} : memref<512xf32, #tpu.memory_space<vmem>>, vector<16xf32>,
      %get3A_244 = arith.constant 208 : index
      %get3A_245 = tpu.vector_load %arg7[%get3A_244] {strides = array<i32>} : memref<512xf32, #tpu.memory_space<vmem>>, vector<16xf32>,
      %mul3A_246 = arith.constant 512 : i32
      %mul3A_247 = arith.muli %scan3A_90, %mul3A_246 : i32
      %add3A_248 = arith.constant 208 : i32
      %add3A_249 = arith.addi %mul3A_247, %add3A_248 : i32
      %get3A_250 = arith.index_cast %add3A_249 : i32 to index
      %get3A_251 = tpu.vector_load %arg6[%get3A_250] {strides = array<i32>} : memref<13312xf32, #tpu.memory_space<vmem>>, vector<16xf32>,
      %add3A_252 = arith.addf %get3A_245, %get3A_251 : vector<16xf32>
      %swap3A_253 = arith.constant 208 : index
      %swap3A_254 = tpu.vector_load %arg7[%swap3A_253] {strides = array<i32>} : memref<512xf32, #tpu.memory_space<vmem>>, vector<16xf32>,
      tpu.vector_store %arg7[%swap3A_253], %add3A_252 {strides = array<i32>} : memref<512xf32, #tpu.memory_space<vmem>>, vector<16xf32>,
      %get3A_255 = arith.constant 224 : index
      %get3A_256 = tpu.vector_load %arg7[%get3A_255] {strides = array<i32>} : memref<512xf32, #tpu.memory_space<vmem>>, vector<16xf32>,
      %mul3A_257 = arith.constant 512 : i32
      %mul3A_258 = arith.muli %scan3A_90, %mul3A_257 : i32
      %add3A_259 = arith.constant 224 : i32
      %add3A_260 = arith.addi %mul3A_258, %add3A_259 : i32
      %get3A_261 = arith.index_cast %add3A_260 : i32 to index
      %get3A_262 = tpu.vector_load %arg6[%get3A_261] {strides = array<i32>} : memref<13312xf32, #tpu.memory_space<vmem>>, vector<16xf32>,
      %add3A_263 = arith.addf %get3A_256, %get3A_262 : vector<16xf32>
      %swap3A_264 = arith.constant 224 : index
      %swap3A_265 = tpu.vector_load %arg7[%swap3A_264] {strides = array<i32>} : memref<512xf32, #tpu.memory_space<vmem>>, vector<16xf32>,
      tpu.vector_store %arg7[%swap3A_264], %add3A_263 {strides = array<i32>} : memref<512xf32, #tpu.memory_space<vmem>>, vector<16xf32>,
      %get3A_266 = arith.constant 240 : index
      %get3A_267 = tpu.vector_load %arg7[%get3A_266] {strides = array<i32>} : memref<512xf32, #tpu.memory_space<vmem>>, vector<16xf32>,
      %mul3A_268 = arith.constant 512 : i32
      %mul3A_269 = arith.muli %scan3A_90, %mul3A_268 : i32
      %add3A_270 = arith.constant 240 : i32
      %add3A_271 = arith.addi %mul3A_269, %add3A_270 : i32
      %get3A_272 = arith.index_cast %add3A_271 : i32 to index
      %get3A_273 = tpu.vector_load %arg6[%get3A_272] {strides = array<i32>} : memref<13312xf32, #tpu.memory_space<vmem>>, vector<16xf32>,
      %add3A_274 = arith.addf %get3A_267, %get3A_273 : vector<16xf32>
      %swap3A_275 = arith.constant 240 : index
      %swap3A_276 = tpu.vector_load %arg7[%swap3A_275] {strides = array<i32>} : memref<512xf32, #tpu.memory_space<vmem>>, vector<16xf32>,
      tpu.vector_store %arg7[%swap3A_275], %add3A_274 {strides = array<i32>} : memref<512xf32, #tpu.memory_space<vmem>>, vector<16xf32>,
      %get3A_277 = arith.constant 256 : index
      %get3A_278 = tpu.vector_load %arg7[%get3A_277] {strides = array<i32>} : memref<512xf32, #tpu.memory_space<vmem>>, vector<16xf32>,
      %mul3A_279 = arith.constant 512 : i32
      %mul3A_280 = arith.muli %scan3A_90, %mul3A_279 : i32
      %add3A_281 = arith.constant 256 : i32
      %add3A_282 = arith.addi %mul3A_280, %add3A_281 : i32
      %get3A_283 = arith.index_cast %add3A_282 : i32 to index
      %get3A_284 = tpu.vector_load %arg6[%get3A_283] {strides = array<i32>} : memref<13312xf32, #tpu.memory_space<vmem>>, vector<16xf32>,
      %add3A_285 = arith.addf %get3A_278, %get3A_284 : vector<16xf32>
      %swap3A_286 = arith.constant 256 : index
      %swap3A_287 = tpu.vector_load %arg7[%swap3A_286] {strides = array<i32>} : memref<512xf32, #tpu.memory_space<vmem>>, vector<16xf32>,
      tpu.vector_store %arg7[%swap3A_286], %add3A_285 {strides = array<i32>} : memref<512xf32, #tpu.memory_space<vmem>>, vector<16xf32>,
      %get3A_288 = arith.constant 272 : index
      %get3A_289 = tpu.vector_load %arg7[%get3A_288] {strides = array<i32>} : memref<512xf32, #tpu.memory_space<vmem>>, vector<16xf32>,
      %mul3A_290 = arith.constant 512 : i32
      %mul3A_291 = arith.muli %scan3A_90, %mul3A_290 : i32
      %add3A_292 = arith.constant 272 : i32
      %add3A_293 = arith.addi %mul3A_291, %add3A_292 : i32
      %get3A_294 = arith.index_cast %add3A_293 : i32 to index
      %get3A_295 = tpu.vector_load %arg6[%get3A_294] {strides = array<i32>} : memref<13312xf32, #tpu.memory_space<vmem>>, vector<16xf32>,
      %add3A_296 = arith.addf %get3A_289, %get3A_295 : vector<16xf32>
      %swap3A_297 = arith.constant 272 : index
      %swap3A_298 = tpu.vector_load %arg7[%swap3A_297] {strides = array<i32>} : memref<512xf32, #tpu.memory_space<vmem>>, vector<16xf32>,
      tpu.vector_store %arg7[%swap3A_297], %add3A_296 {strides = array<i32>} : memref<512xf32, #tpu.memory_space<vmem>>, vector<16xf32>,
      %get3A_299 = arith.constant 288 : index
      %get3A_300 = tpu.vector_load %arg7[%get3A_299] {strides = array<i32>} : memref<512xf32, #tpu.memory_space<vmem>>, vector<16xf32>,
      %mul3A_301 = arith.constant 512 : i32
      %mul3A_302 = arith.muli %scan3A_90, %mul3A_301 : i32
      %add3A_303 = arith.constant 288 : i32
      %add3A_304 = arith.addi %mul3A_302, %add3A_303 : i32
      %get3A_305 = arith.index_cast %add3A_304 : i32 to index
      %get3A_306 = tpu.vector_load %arg6[%get3A_305] {strides = array<i32>} : memref<13312xf32, #tpu.memory_space<vmem>>, vector<16xf32>,
      %add3A_307 = arith.addf %get3A_300, %get3A_306 : vector<16xf32>
      %swap3A_308 = arith.constant 288 : index
      %swap3A_309 = tpu.vector_load %arg7[%swap3A_308] {strides = array<i32>} : memref<512xf32, #tpu.memory_space<vmem>>, vector<16xf32>,
      tpu.vector_store %arg7[%swap3A_308], %add3A_307 {strides = array<i32>} : memref<512xf32, #tpu.memory_space<vmem>>, vector<16xf32>,
      %get3A_310 = arith.constant 304 : index
      %get3A_311 = tpu.vector_load %arg7[%get3A_310] {strides = array<i32>} : memref<512xf32, #tpu.memory_space<vmem>>, vector<16xf32>,
      %mul3A_312 = arith.constant 512 : i32
      %mul3A_313 = arith.muli %scan3A_90, %mul3A_312 : i32
      %add3A_314 = arith.constant 304 : i32
      %add3A_315 = arith.addi %mul3A_313, %add3A_314 : i32
      %get3A_316 = arith.index_cast %add3A_315 : i32 to index
      %get3A_317 = tpu.vector_load %arg6[%get3A_316] {strides = array<i32>} : memref<13312xf32, #tpu.memory_space<vmem>>, vector<16xf32>,
      %add3A_318 = arith.addf %get3A_311, %get3A_317 : vector<16xf32>
      %swap3A_319 = arith.constant 304 : index
      %swap3A_320 = tpu.vector_load %arg7[%swap3A_319] {strides = array<i32>} : memref<512xf32, #tpu.memory_space<vmem>>, vector<16xf32>,
      tpu.vector_store %arg7[%swap3A_319], %add3A_318 {strides = array<i32>} : memref<512xf32, #tpu.memory_space<vmem>>, vector<16xf32>,
      %get3A_321 = arith.constant 320 : index
      %get3A_322 = tpu.vector_load %arg7[%get3A_321] {strides = array<i32>} : memref<512xf32, #tpu.memory_space<vmem>>, vector<16xf32>,
      %mul3A_323 = arith.constant 512 : i32
      %mul3A_324 = arith.muli %scan3A_90, %mul3A_323 : i32
      %add3A_325 = arith.constant 320 : i32
      %add3A_326 = arith.addi %mul3A_324, %add3A_325 : i32
      %get3A_327 = arith.index_cast %add3A_326 : i32 to index
      %get3A_328 = tpu.vector_load %arg6[%get3A_327] {strides = array<i32>} : memref<13312xf32, #tpu.memory_space<vmem>>, vector<16xf32>,
      %add3A_329 = arith.addf %get3A_322, %get3A_328 : vector<16xf32>
      %swap3A_330 = arith.constant 320 : index
      %swap3A_331 = tpu.vector_load %arg7[%swap3A_330] {strides = array<i32>} : memref<512xf32, #tpu.memory_space<vmem>>, vector<16xf32>,
      tpu.vector_store %arg7[%swap3A_330], %add3A_329 {strides = array<i32>} : memref<512xf32, #tpu.memory_space<vmem>>, vector<16xf32>,
      %get3A_332 = arith.constant 336 : index
      %get3A_333 = tpu.vector_load %arg7[%get3A_332] {strides = array<i32>} : memref<512xf32, #tpu.memory_space<vmem>>, vector<16xf32>,
      %mul3A_334 = arith.constant 512 : i32
      %mul3A_335 = arith.muli %scan3A_90, %mul3A_334 : i32
      %add3A_336 = arith.constant 336 : i32
      %add3A_337 = arith.addi %mul3A_335, %add3A_336 : i32
      %get3A_338 = arith.index_cast %add3A_337 : i32 to index
      %get3A_339 = tpu.vector_load %arg6[%get3A_338] {strides = array<i32>} : memref<13312xf32, #tpu.memory_space<vmem>>, vector<16xf32>,
      %add3A_340 = arith.addf %get3A_333, %get3A_339 : vector<16xf32>
      %swap3A_341 = arith.constant 336 : index
      %swap3A_342 = tpu.vector_load %arg7[%swap3A_341] {strides = array<i32>} : memref<512xf32, #tpu.memory_space<vmem>>, vector<16xf32>,
      tpu.vector_store %arg7[%swap3A_341], %add3A_340 {strides = array<i32>} : memref<512xf32, #tpu.memory_space<vmem>>, vector<16xf32>,
      %get3A_343 = arith.constant 352 : index
      %get3A_344 = tpu.vector_load %arg7[%get3A_343] {strides = array<i32>} : memref<512xf32, #tpu.memory_space<vmem>>, vector<16xf32>,
      %mul3A_345 = arith.constant 512 : i32
      %mul3A_346 = arith.muli %scan3A_90, %mul3A_345 : i32
      %add3A_347 = arith.constant 352 : i32
      %add3A_348 = arith.addi %mul3A_346, %add3A_347 : i32
      %get3A_349 = arith.index_cast %add3A_348 : i32 to index
      %get3A_350 = tpu.vector_load %arg6[%get3A_349] {strides = array<i32>} : memref<13312xf32, #tpu.memory_space<vmem>>, vector<16xf32>,
      %add3A_351 = arith.addf %get3A_344, %get3A_350 : vector<16xf32>
      %swap3A_352 = arith.constant 352 : index
      %swap3A_353 = tpu.vector_load %arg7[%swap3A_352] {strides = array<i32>} : memref<512xf32, #tpu.memory_space<vmem>>, vector<16xf32>,
      tpu.vector_store %arg7[%swap3A_352], %add3A_351 {strides = array<i32>} : memref<512xf32, #tpu.memory_space<vmem>>, vector<16xf32>,
      %get3A_354 = arith.constant 368 : index
      %get3A_355 = tpu.vector_load %arg7[%get3A_354] {strides = array<i32>} : memref<512xf32, #tpu.memory_space<vmem>>, vector<16xf32>,
      %mul3A_356 = arith.constant 512 : i32
      %mul3A_357 = arith.muli %scan3A_90, %mul3A_356 : i32
      %add3A_358 = arith.constant 368 : i32
      %add3A_359 = arith.addi %mul3A_357, %add3A_358 : i32
      %get3A_360 = arith.index_cast %add3A_359 : i32 to index
      %get3A_361 = tpu.vector_load %arg6[%get3A_360] {strides = array<i32>} : memref<13312xf32, #tpu.memory_space<vmem>>, vector<16xf32>,
      %add3A_362 = arith.addf %get3A_355, %get3A_361 : vector<16xf32>
      %swap3A_363 = arith.constant 368 : index
      %swap3A_364 = tpu.vector_load %arg7[%swap3A_363] {strides = array<i32>} : memref<512xf32, #tpu.memory_space<vmem>>, vector<16xf32>,
      tpu.vector_store %arg7[%swap3A_363], %add3A_362 {strides = array<i32>} : memref<512xf32, #tpu.memory_space<vmem>>, vector<16xf32>,
      %get3A_365 = arith.constant 384 : index
      %get3A_366 = tpu.vector_load %arg7[%get3A_365] {strides = array<i32>} : memref<512xf32, #tpu.memory_space<vmem>>, vector<16xf32>,
      %mul3A_367 = arith.constant 512 : i32
      %mul3A_368 = arith.muli %scan3A_90, %mul3A_367 : i32
      %add3A_369 = arith.constant 384 : i32
      %add3A_370 = arith.addi %mul3A_368, %add3A_369 : i32
      %get3A_371 = arith.index_cast %add3A_370 : i32 to index
      %get3A_372 = tpu.vector_load %arg6[%get3A_371] {strides = array<i32>} : memref<13312xf32, #tpu.memory_space<vmem>>, vector<16xf32>,
      %add3A_373 = arith.addf %get3A_366, %get3A_372 : vector<16xf32>
      %swap3A_374 = arith.constant 384 : index
      %swap3A_375 = tpu.vector_load %arg7[%swap3A_374] {strides = array<i32>} : memref<512xf32, #tpu.memory_space<vmem>>, vector<16xf32>,
      tpu.vector_store %arg7[%swap3A_374], %add3A_373 {strides = array<i32>} : memref<512xf32, #tpu.memory_space<vmem>>, vector<16xf32>,
      %get3A_376 = arith.constant 400 : index
      %get3A_377 = tpu.vector_load %arg7[%get3A_376] {strides = array<i32>} : memref<512xf32, #tpu.memory_space<vmem>>, vector<16xf32>,
      %mul3A_378 = arith.constant 512 : i32
      %mul3A_379 = arith.muli %scan3A_90, %mul3A_378 : i32
      %add3A_380 = arith.constant 400 : i32
      %add3A_381 = arith.addi %mul3A_379, %add3A_380 : i32
      %get3A_382 = arith.index_cast %add3A_381 : i32 to index
      %get3A_383 = tpu.vector_load %arg6[%get3A_382] {strides = array<i32>} : memref<13312xf32, #tpu.memory_space<vmem>>, vector<16xf32>,
      %add3A_384 = arith.addf %get3A_377, %get3A_383 : vector<16xf32>
      %swap3A_385 = arith.constant 400 : index
      %swap3A_386 = tpu.vector_load %arg7[%swap3A_385] {strides = array<i32>} : memref<512xf32, #tpu.memory_space<vmem>>, vector<16xf32>,
      tpu.vector_store %arg7[%swap3A_385], %add3A_384 {strides = array<i32>} : memref<512xf32, #tpu.memory_space<vmem>>, vector<16xf32>,
      %get3A_387 = arith.constant 416 : index
      %get3A_388 = tpu.vector_load %arg7[%get3A_387] {strides = array<i32>} : memref<512xf32, #tpu.memory_space<vmem>>, vector<16xf32>,
      %mul3A_389 = arith.constant 512 : i32
      %mul3A_390 = arith.muli %scan3A_90, %mul3A_389 : i32
      %add3A_391 = arith.constant 416 : i32
      %add3A_392 = arith.addi %mul3A_390, %add3A_391 : i32
      %get3A_393 = arith.index_cast %add3A_392 : i32 to index
      %get3A_394 = tpu.vector_load %arg6[%get3A_393] {strides = array<i32>} : memref<13312xf32, #tpu.memory_space<vmem>>, vector<16xf32>,
      %add3A_395 = arith.addf %get3A_388, %get3A_394 : vector<16xf32>
      %swap3A_396 = arith.constant 416 : index
      %swap3A_397 = tpu.vector_load %arg7[%swap3A_396] {strides = array<i32>} : memref<512xf32, #tpu.memory_space<vmem>>, vector<16xf32>,
      tpu.vector_store %arg7[%swap3A_396], %add3A_395 {strides = array<i32>} : memref<512xf32, #tpu.memory_space<vmem>>, vector<16xf32>,
      %get3A_398 = arith.constant 432 : index
      %get3A_399 = tpu.vector_load %arg7[%get3A_398] {strides = array<i32>} : memref<512xf32, #tpu.memory_space<vmem>>, vector<16xf32>,
      %mul3A_400 = arith.constant 512 : i32
      %mul3A_401 = arith.muli %scan3A_90, %mul3A_400 : i32
      %add3A_402 = arith.constant 432 : i32
      %add3A_403 = arith.addi %mul3A_401, %add3A_402 : i32
      %get3A_404 = arith.index_cast %add3A_403 : i32 to index
      %get3A_405 = tpu.vector_load %arg6[%get3A_404] {strides = array<i32>} : memref<13312xf32, #tpu.memory_space<vmem>>, vector<16xf32>,
      %add3A_406 = arith.addf %get3A_399, %get3A_405 : vector<16xf32>
      %swap3A_407 = arith.constant 432 : index
      %swap3A_408 = tpu.vector_load %arg7[%swap3A_407] {strides = array<i32>} : memref<512xf32, #tpu.memory_space<vmem>>, vector<16xf32>,
      tpu.vector_store %arg7[%swap3A_407], %add3A_406 {strides = array<i32>} : memref<512xf32, #tpu.memory_space<vmem>>, vector<16xf32>,
      %get3A_409 = arith.constant 448 : index
      %get3A_410 = tpu.vector_load %arg7[%get3A_409] {strides = array<i32>} : memref<512xf32, #tpu.memory_space<vmem>>, vector<16xf32>,
      %mul3A_411 = arith.constant 512 : i32
      %mul3A_412 = arith.muli %scan3A_90, %mul3A_411 : i32
      %add3A_413 = arith.constant 448 : i32
      %add3A_414 = arith.addi %mul3A_412, %add3A_413 : i32
      %get3A_415 = arith.index_cast %add3A_414 : i32 to index
      %get3A_416 = tpu.vector_load %arg6[%get3A_415] {strides = array<i32>} : memref<13312xf32, #tpu.memory_space<vmem>>, vector<16xf32>,
      %add3A_417 = arith.addf %get3A_410, %get3A_416 : vector<16xf32>
      %swap3A_418 = arith.constant 448 : index
      %swap3A_419 = tpu.vector_load %arg7[%swap3A_418] {strides = array<i32>} : memref<512xf32, #tpu.memory_space<vmem>>, vector<16xf32>,
      tpu.vector_store %arg7[%swap3A_418], %add3A_417 {strides = array<i32>} : memref<512xf32, #tpu.memory_space<vmem>>, vector<16xf32>,
      %get3A_420 = arith.constant 464 : index
      %get3A_421 = tpu.vector_load %arg7[%get3A_420] {strides = array<i32>} : memref<512xf32, #tpu.memory_space<vmem>>, vector<16xf32>,
      %mul3A_422 = arith.constant 512 : i32
      %mul3A_423 = arith.muli %scan3A_90, %mul3A_422 : i32
      %add3A_424 = arith.constant 464 : i32
      %add3A_425 = arith.addi %mul3A_423, %add3A_424 : i32
      %get3A_426 = arith.index_cast %add3A_425 : i32 to index
      %get3A_427 = tpu.vector_load %arg6[%get3A_426] {strides = array<i32>} : memref<13312xf32, #tpu.memory_space<vmem>>, vector<16xf32>,
      %add3A_428 = arith.addf %get3A_421, %get3A_427 : vector<16xf32>
      %swap3A_429 = arith.constant 464 : index
      %swap3A_430 = tpu.vector_load %arg7[%swap3A_429] {strides = array<i32>} : memref<512xf32, #tpu.memory_space<vmem>>, vector<16xf32>,
      tpu.vector_store %arg7[%swap3A_429], %add3A_428 {strides = array<i32>} : memref<512xf32, #tpu.memory_space<vmem>>, vector<16xf32>,
      %get3A_431 = arith.constant 480 : index
      %get3A_432 = tpu.vector_load %arg7[%get3A_431] {strides = array<i32>} : memref<512xf32, #tpu.memory_space<vmem>>, vector<16xf32>,
      %mul3A_433 = arith.constant 512 : i32
      %mul3A_434 = arith.muli %scan3A_90, %mul3A_433 : i32
      %add3A_435 = arith.constant 480 : i32
      %add3A_436 = arith.addi %mul3A_434, %add3A_435 : i32
      %get3A_437 = arith.index_cast %add3A_436 : i32 to index
      %get3A_438 = tpu.vector_load %arg6[%get3A_437] {strides = array<i32>} : memref<13312xf32, #tpu.memory_space<vmem>>, vector<16xf32>,
      %add3A_439 = arith.addf %get3A_432, %get3A_438 : vector<16xf32>
      %swap3A_440 = arith.constant 480 : index
      %swap3A_441 = tpu.vector_load %arg7[%swap3A_440] {strides = array<i32>} : memref<512xf32, #tpu.memory_space<vmem>>, vector<16xf32>,
      tpu.vector_store %arg7[%swap3A_440], %add3A_439 {strides = array<i32>} : memref<512xf32, #tpu.memory_space<vmem>>, vector<16xf32>,
      %get3A_442 = arith.constant 496 : index
      %get3A_443 = tpu.vector_load %arg7[%get3A_442] {strides = array<i32>} : memref<512xf32, #tpu.memory_space<vmem>>, vector<16xf32>,
      %mul3A_444 = arith.constant 512 : i32
      %mul3A_445 = arith.muli %scan3A_90, %mul3A_444 : i32
      %add3A_446 = arith.constant 496 : i32
      %add3A_447 = arith.addi %mul3A_445, %add3A_446 : i32
      %get3A_448 = arith.index_cast %add3A_447 : i32 to index
      %get3A_449 = tpu.vector_load %arg6[%get3A_448] {strides = array<i32>} : memref<13312xf32, #tpu.memory_space<vmem>>, vector<16xf32>,
      %add3A_450 = arith.addf %get3A_443, %get3A_449 : vector<16xf32>
      %swap3A_451 = arith.constant 496 : index
      %swap3A_452 = tpu.vector_load %arg7[%swap3A_451] {strides = array<i32>} : memref<512xf32, #tpu.memory_space<vmem>>, vector<16xf32>,
      tpu.vector_store %arg7[%swap3A_451], %add3A_450 {strides = array<i32>} : memref<512xf32, #tpu.memory_space<vmem>>, vector<16xf32>,
      %scan3A_453 = arith.constant 0 : i32
      scf.yield %scan3A_453 : i32
    }
    %scan3A_87 = arith.constant 26 : i32
    %mul3A_88 = arith.constant 512 : i32
    %mul3A_89 = arith.muli %add3A, %mul3A_88 : i32
    "tpu.region"() ({
      %run_scoped3A = tpu.sem_alloc : memref<!tpu.dma_semaphore, #tpu.memory_space<semaphore_mem>>
      %dma_start3A = tpu.memref_slice %arg4[%mul3A_89] : memref<16384xf32, #tpu.memory_space<hbm>> -> memref<512xf32, #tpu.memory_space<hbm>>
      %dma_start3A_90 = tpu.memref_slice %arg4[%mul3A_89] : memref<16384xf32, #tpu.memory_space<hbm>> -> memref<512xf32, #tpu.memory_space<hbm>>
      tpu.enqueue_dma source(%arg7 : memref<512xf32, #tpu.memory_space<vmem>>) target(%dma_start3A_90 : memref<512xf32, #tpu.memory_space<hbm>>) target_semaphore(%run_scoped3A : memref<!tpu.dma_semaphore, #tpu.memory_space<semaphore_mem>>)
      %dma_wait3A_91 = tpu.memref_slice %arg4[%mul3A_89] : memref<16384xf32, #tpu.memory_space<hbm>> -> memref<512xf32, #tpu.memory_space<hbm>>
      %dma_wait3A_92 = tpu.memref_slice %arg4[%mul3A_89] : memref<16384xf32, #tpu.memory_space<hbm>> -> memref<512xf32, #tpu.memory_space<hbm>>
      tpu.wait_dma2 semaphore(%run_scoped3A : memref<!tpu.dma_semaphore, #tpu.memory_space<semaphore_mem>>) src(%arg7 : memref<512xf32, #tpu.memory_space<vmem>>) dst(%dma_wait3A_92 : memref<512xf32, #tpu.memory_space<hbm>>)
      tpu.yield
    }) : () -> ()
    return
  }
}

</mosaic_0001>

<sc_bundles>
// kernel: kernel.3.cloned.1.call-start
scs
__scs_entry_jumppad:
0x0: {  	(pc) =	sbr.rel $0x88, $3  }
0x1: {  	(tag) =	ssettag $0x0;
	lr =	simm.s32 $0x1  }
0x2: {  	[smem:$0x3F9F] =	sst lr;
	_ =	strace $0xD0000000  }
0x3: {  	_ = 	snop  }
0x4: {  	_ = 	snop  }
0x5: {  	_ = 	snop  }
0x6: {  	_ = 	snop  }
0x7: {  	_ = 	snop  }
__scs_overlays_trampoline_lowered:
0x8: {  	[smem:$0x3FAE] =	sst s0  }
0x9: {  	[smem:$0x3FAF] =	sst s1  }
0xa: {  	[smem:$0x3FB0] =	sst s2  }
0xb: {  	[smem:$0x3FB1] =	sst s3  }
0xc: {  	[smem:$0x3FB2] =	sst s4  }
0xd: {  	[smem:$0x3FB3] =	sst s5  }
0xe: {  	[smem:$0x3FB4] =	sst s6  }
0xf: {  	[smem:$0x3FB5] =	sst s7  }
0x10: {  	[smem:$0x3FB6] =	sst s8  }
0x11: {  	[smem:$0x3FB7] =	sst s9;
	s0 =	simm.s32 @!p0 $0x0  }
0x12: {  	s1 =	sld [smem:$0x3F9D];
	s0 =	simm.s32 @p0 $0x1  }
0x13: {  	[smem:$0x3FB8] =	sst s0;
	s0 =	simm.s32 @!p1 $0x0  }
0x14: {  	s2 =	sld [smem:$0x3F9C];
	s0 =	simm.s32 @p1 $0x1  }
0x15: {  	[smem:$0x3FB9] =	sst s0;
	s0 =	simm.s32 @!p2 $0x0  }
0x16: {  	s3 =	sld [smem:$0x3FDB];
	s0 =	simm.s32 @p2 $0x1  }
0x17: {  	s4 =	simm.s32 $0x1BF5;
	[smem:$0x3FBB] =	sst s0  }
0x18: {  	s0 =	sld [smem:$0x3F9E];
	_ =	swait.ge [sflag:s4], $0x0  }
0x19: {  	s7 =	sld [smem:$0x3F9F]  }
0x1a: {  	s8 =	sadd.s32 $0xFFFFE003, lr  }
0x1b: {  	s9 =	sadd.s32 $0xFFFFFEF7, lr;
	s5 =	simm.s32 $0xFFFFFFFF;
	p2 =	slt.u32 s8, $0xFFFFF086  }
0x1c: {  	p1 =	slt.u32 s9, $0xF7A;
	s5 =	simm.s32 @!p2 $0x0  }
0x1d: {  	s5 =	simm.s32 @p1 $0x1;
	p0 =	seq.s32 s7, s2  }
0x1e: {  	s7 =	smul.u32 @!p0 $0xF7A, s2;
	p2 =	seq.s32 @!p0 s5, $0x0  }
0x1f: {  	s9 =	smul.u32 $0xF7A, s1;
	s8 =	simm.s32 @!p0 $0x1BF5;
	p2 =	por !p2, p0  }
0x20: {  	[sflag:s8] =	ssyncset.s32 @!p0 $0xFFFFF086;
	s6 =	sadd.s32 @!p0 s3, s7;
	s7 =	simm.s32 @!p0 $0x108  }
0x21: {  	s3 =	sadd.s32 s3, s9;
	s6 =	sadd.s32 @!p0 $0x88, s6;
	s7 =	simm.s32 @p2 $0x1082  }
0x22: {  	[simem:s7], [sflag:s8] =	dma.local @!p0 [hbm:s6], $0xF7A  }
0x23: {  	s9 =	sor.u32 $0xD0000000, s2;
	s6 =	simm.s32 $0x108;
	_ =	swait.ge @!p0 [sflag:s8], $0x0  }
0x24: {  	s3 =	sadd.s32 $0x88, s3;
	s6 =	simm.s32 @!p1 $0x1082;
	[sflag:s4] =	ssyncset.s32 $0xFFFFF086  }
0x25: {  	[simem:s6], [sflag:s4] =	dma.local [hbm:s3], $0xF7A  }
0x26: {  	[smem:$0x3F9F] =	sst s1;
	(tag) =	ssettag s2;
	_ =	strace s9  }
0x27: {  	s1 =	sld [smem:$0x3FAF]  }
0x28: {  	s2 =	sld [smem:$0x3FB0]  }
0x29: {  	s4 =	sld [smem:$0x3FB2]  }
0x2a: {  	p0 =	seq.s32 s5, $0x0;
	s5 =	sld [smem:$0x3FB3]  }
0x2b: {  	s6 =	sld [smem:$0x3FB4]  }
0x2c: {  	s7 =	sld [smem:$0x3FB5]  }
0x2d: {  	s3 =	simm.s32 $0x108;
	s8 =	sld [smem:$0x3FB6]  }
0x2e: {  	s3 =	simm.s32 @!p0 $0x1082;
	s9 =	sld [smem:$0x3FB7]  }
0x2f: {  	lr =	sadd.s32 s0, s3;
	s0 =	sld [smem:$0x3FAE]  }
0x30: {  	s3 =	sld [smem:$0x3FB1]  }
0x31: {  	[smem:$0x3FBA] =	sst s10  }
0x32: {  	s10 =	sld [smem:$0x3FB8];
	_ =	sdelay $0x3  }
0x33: {  	p0 =	seq.s32 s10, $0x1;
	s10 =	sld [smem:$0x3FBA];
	_ =	sdelay $0x3  }
0x34: {  	[smem:$0x3FBA] =	sst s10  }
0x35: {  	s10 =	sld [smem:$0x3FB9];
	_ =	sdelay $0x3  }
0x36: {  	p1 =	seq.s32 s10, $0x1;
	s10 =	sld [smem:$0x3FBA];
	_ =	sdelay $0x3  }
0x37: {  	[smem:$0x3FBA] =	sst s10  }
0x38: {  	s10 =	sld [smem:$0x3FBB]  }
0x39: {  	_ = 	snop;
	(pc) =	sbr.ind lr, $3  }
0x3a: {  	_ = 	snop  }
0x3b: {  	_ = 	snop  }
0x3c: {  	p2 =	seq.s32 s10, $0x1;
	s10 =	sld [smem:$0x3FBA]  }
0x3d: {  	_ =	shalt  }
0x3e: {  	_ =	shalt  }
0x3f: {  	_ =	shalt  }
0x40: {  	_ =	shalt  }
0x41: {  	_ =	shalt  }
0x42: {  	_ =	shalt  }
0x43: {  	_ =	shalt  }
0x44: {  	_ =	shalt  }
0x45: {  	_ =	shalt  }
0x46: {  	_ =	shalt  }
0x47: {  	_ =	shalt  }
0x48: {  	_ =	shalt  }
0x49: {  	_ =	shalt  }
0x4a: {  	_ =	shalt  }
0x4b: {  	_ =	shalt  }
0x4c: {  	_ =	shalt  }
0x4d: {  	_ =	shalt  }
0x4e: {  	_ =	shalt  }
0x4f: {  	_ =	shalt  }
0x50: {  	_ =	shalt  }
0x51: {  	_ =	shalt  }
0x52: {  	_ =	shalt  }
0x53: {  	_ =	shalt  }
0x54: {  	_ =	shalt  }
0x55: {  	_ =	shalt  }
0x56: {  	_ =	shalt  }
0x57: {  	_ =	shalt  }
0x58: {  	_ =	shalt  }
0x59: {  	_ =	shalt  }
0x5a: {  	_ =	shalt  }
0x5b: {  	_ =	shalt  }
0x5c: {  	_ =	shalt  }
0x5d: {  	_ =	shalt  }
0x5e: {  	_ =	shalt  }
0x5f: {  	_ =	shalt  }
0x60: {  	_ =	shalt  }
0x61: {  	_ =	shalt  }
0x62: {  	_ =	shalt  }
0x63: {  	_ =	shalt  }
0x64: {  	_ =	shalt  }
0x65: {  	_ =	shalt  }
0x66: {  	_ =	shalt  }
0x67: {  	_ =	shalt  }
0x68: {  	_ =	shalt  }
0x69: {  	_ =	shalt  }
0x6a: {  	_ =	shalt  }
0x6b: {  	_ =	shalt  }
0x6c: {  	_ =	shalt  }
0x6d: {  	_ =	shalt  }
0x6e: {  	_ =	shalt  }
0x6f: {  	_ =	shalt  }
0x70: {  	_ =	shalt  }
0x71: {  	_ =	shalt  }
0x72: {  	_ =	shalt  }
0x73: {  	_ =	shalt  }
0x74: {  	_ =	shalt  }
0x75: {  	_ =	shalt  }
0x76: {  	_ =	shalt  }
0x77: {  	_ =	shalt  }
0x78: {  	_ =	shalt  }
0x79: {  	_ =	shalt  }
0x7a: {  	_ =	shalt  }
0x7b: {  	_ =	shalt  }
0x7c: {  	_ =	shalt  }
0x7d: {  	_ =	shalt  }
0x7e: {  	_ =	shalt  }
0x7f: {  	_ =	shalt  }
0x80: {  	_ =	shalt  }
0x81: {  	_ =	shalt  }
0x82: {  	_ =	shalt  }
0x83: {  	_ =	shalt  }
0x84: {  	_ =	shalt  }
0x85: {  	_ =	shalt  }
0x86: {  	_ =	shalt  }
0x87: {  	_ =	shalt  }
.Lfunc_end0:
.L_simem_size_0:
called_computation_lowered:
.L_overlay_start_0:
0x88: {  	s2 =	sld [smem:$0x3FD9]  }
0x89: {  	s3 =	sld [smem:$0x3FFE];
	_ =	sdelay $0x1  }
0x8a: {  	s1 =	srdreg.scid  }
0x8b: {  	s0 =	sand.u32 $0x1, s1  }
0x8c: {  	s17 =	sshll.u32 s0, $0xA;
	s2 =	sadd.s32 s3, s2  }
0x8d: {  	s2 =	sadd.s32 s2, s17  }
0x8e: {  	[smem:$0x3FC6] =	sst s2  }
0x8f: {  	_ = 	snop  }
0x90: {  	s2 =	sld [smem:$0x3FD0];
	(tm) =	ssettm $0x1  }
0x91: {  	s18 =	sld [smem:$0x3FFB];
	_ =	sdelay $0x3  }
0x92: {  	_ =	strace s18  }
0x93: {  	s3 =	sld [smem:$0x3FFC];
	_ =	sdelay $0x3  }
0x94: {  	_ =	strace s3  }
0x95: {  	s3 =	sld [smem:$0x3FFD];
	_ =	sdelay $0x3  }
0x96: {  	_ =	strace s3  }
0x97: {  	_ =	strace $0x8FFFFFFF  }
0x98: {  	s19 =	sld [smem:$0x3FDB];
	_ =	sdelay $0x1  }
0x99: {  	s4 =	simm.s32 $_scs_section_size  }
0x9a: {  	s5 =	simm.s32 $_size__tile_overlayer_lowered;
	s6 =	simm.s32 $_tile_overlayer_lowered  }
0x9b: {  	s22 =	simm.s32 $0x1BFF;
	s21 =	sshll.u32 s6, $0x1;
	s3 =	sadd.s32 s4, s19  }
0x9c: {  	s7 =	simm.s32 $0x0;
	s20 =	sshll.u32 s5, $0x1;
	s5 =	sadd.s32 s21, s3  }
0x9d: {  	[timem:s7], [sflag:s22] =	dma.local [hbm:s5], s20  }
0x9e: {  	_ =	swait.ge [sflag:s22], s20  }
0x9f: {  	s4 =	ssub.s32 $0x0, s20;
	[sflag:s22] =	ssyncset.done $0x0  }
0xa0: {  	[sflag:s22] =	ssyncadd.s32 s4;
	_ =	sdelay $0x1  }
0xa1: {  	s23 =	simm.s32 $0x1B8B  }
0xa2: {  	_ =	swait.ge [sflag:s23], $0x1  }
0xa3: {  	[sflag:s23] =	ssyncset.done $0x0  }
0xa4: {  	s25 =	simm.s32 $0x1B8E;
	s24 =	sld [smem:$0x3FFE];
	[sflag:s23] =	ssyncadd.s32 $0xFFFFFFFF  }
0xa5: {  	s26 =	simm.s32 $execute0_lowered;
	[smem:$0x3FD2] =	sst s25  }
0xa6: {  	s5 =	sshll.u32 s26, $0x1;
	_ =	strace $0x80000046;
	[dreg:$0x1] =	wrdreg $0xFFFFFFFF  }
0xa7: {  	s28 =	simm.s32 $_size_execute0_lowered;
	s3 =	sadd.s32 s3, s5;
	[dreg:$0x0] =	wrdreg $0x0  }
0xa8: {  	s5 =	sshll.u32 s28, $0x1;
	[dreg:$0x2] =	wrdreg s3  }
0xa9: {  	[dreg:$0x3] =	wrdreg s5  }
0xaa: {  	[dreg:$0x4] =	wrdreg $0xC0  }
0xab: {  	_ =	task [dreg:s7], $0x5FFFF  }
0xac: {  	[dreg:$0x1] =	wrdreg $0xFFFFFFFF  }
0xad: {  	[dreg:$0x0] =	wrdreg $0x60  }
0xae: {  	[dreg:$0x2] =	wrdreg s24  }
0xaf: {  	[dreg:$0x3] =	wrdreg s2  }
0xb0: {  	[dreg:$0x4] =	wrdreg $0x9  }
0xb1: {  	_ =	task.clear_ibuf [dreg:s7], $0x5FFFF;
	_ =	strace $0x90000046  }
0xb2: {  	s29 =	simm.s32 $0x9;
	_ =	strace $0x80000048  }
0xb3: {  	_ =	swait.ge [sflag:s29], $0x1  }
0xb4: {  	[sflag:s29] =	ssyncadd.s32 $0xFFFFFFFF  }
0xb5: {  	_ =	strace $0x90000048  }
0xb6: {  	_ =	sfence  }
0xb7: {  	s30 =	sld [smem:$0x0];
	_ =	sdelay $0x2  }
0xb8: {  	s31 =	sshll.u32 s1, $0xD;
	s1 =	sshrl.u32 s1, $0x2  }
0xb9: {  	s3 =	sand.u32 $0x4000, s31;
	s1 =	sadd.s32 s1, s30  }
0xba: {  	s0 =	sor.u32 s3, s0;
	s1 =	sshll.u32 s1, $0x11  }
0xbb: {  	s0 =	sor.u32 s1, s0  }
0xbc: {  	s0 =	sadd.s32 $0x8F2B, s0  }
0xbd: {  	[sflag:s0] =	ssyncadd.remote.s32 $0x1  }
0xbe: {  	_ =	sfence.sel $0xFFFF  }
0xbf: {  	[dreg:$0x0] =	wrdreg $0xFFFFFFFF;
	(pc) =	sbr.abs _section_cstart, $3  }
0xc0: {  	[dreg:$0x1] =	wrdreg $0xFFFFFFFF  }
0xc1: {  	_ =	task.clear_ibuf [dreg:s7], $0x2FFFF;
	_ =	strace $0x9FFFFFFF  }
0xc2: {  	(tm) =	ssettm $0x7FFFFFFF  }
0xc3: {  	_ =	shalt  }
tec
execute0_lowered:
.L_overlay_start_1:
0x0: {  	(tag) =	ssettag $0x1  }
0x1: {  	s3 =	rddreg [dreg:$0x0]  }
0x2: {  	s4 =	rddreg [dreg:$0x1]  }
0x3: {  	s0 =	rddreg [dreg:$0x2];
	s2 =	simm.s32 $0x0;
	s5 =	srdreg.scid  }
0x4: {  	s1 =	stileid.u32;
	s11 =	simm.s32 $0x0;
	[smem:$0x7FF] =	sst s2  }
0x5: {  	s5 =	sand.u32 $0x1, s5;
	s6 =	sshll.u32 s1, $0x7;
	_ =	strace $0x80000047  }
0x6: {  	s7 =	ssub.s32 $0x2, s5;
	s8 =	sadd.s32 s6, s3;
	s10 =	sshll.u32 s5, $0x6  }
0x7: {  	s3 =	sadd.s32 $0x600, s3;
	s9 =	sshrl.u32 s7, $0x1;
	s6 =	sor.u32 s10, s6  }
0x8: {  	s31 =	sadd.s32 s10, s8;
	s8 =	simm.s32 $0x200;
	s10 =	simm.s32 $0x1C  }
0x9: {  	s30 =	ssub.s32 s7, s9;
	s4 =	sadd.s32 s4, s6;
	s6 =	sadd.s32 $0x4FC00, s31  }
0xa: {  	s7 =	simm.s32 $0x1;
	s9 =	simm.s32 $0x6800;
	s5 =	smax.u32 s30, $0x1  }
.LBB2_1:
0xb: {  	s12 =	simm.s32 $0x800;
	s13 =	simm.s32 $0x0;
	s14 =	sadd.s32 $0x0, s6  }
.LBB2_2:
0xc: {  	[tilespmem:s13], [sflag:$0x1] =	stream.linear.gather [hbm4b:s14+s2], $0x200, $0x38;
	[tilespmem:$0x6A00] =	vst v63  }
0xd: {  	s14 =	smov.u32 s12;
	p0 =	sne.s32 s12, $0xC800  }
.Ltmp0:
0xe: {  	s12 =	sadd.s32 $0x800, s12;
	(pc) =	sbr.rel @p0 .LBB2_2-.Ltmp0, $2  }
0xf: {  	_ =	sdelay $0x2  }
0x10: {  	s13 =	sshra.s32 s14, $0x2;
	s14 =	sadd.s32 s14, s6  }
0x11: {  	[tilespmem:s13], [sflag:$0x1] =	stream.linear.gather [hbm4b:s14+s2], $0x200, $0x38;
	[tilespmem:$0x6A00] =	vst v63  }
0x12: {  	_ =	swait.ge [sflag:s7], $0x3400  }
0x13: {  	s12 =	simm.s32 $0x2;
	s30 =	simm.s32 $0x0;
	[sflag:s7] =	ssyncset.done $0x0  }
0x14: {  	s31 =	simm.s32 $0x3400;
	s13 =	simm.s32 $0x800;
	[sflag:s7] =	ssyncadd.s32 $0xFFFFCC00  }
0x15: {  	[tilespmem:s31], [sflag:s12] =	stream.indirect.gather [hbm4b:s3+s8], $0x1, s30, s8, $0xb8;
	[tilespmem:$0x6A00] =	vst v63  }
.LBB2_4:
0x16: {  	p0 =	sne.s32 s13, $0xC800  }
.Ltmp1:
0x17: {  	_ = 	snop;
	(pc) =	sbr.rel @p0 .LBB2_4-.Ltmp1, $4  }
0x18: {  	_ = 	snop  }
0x19: {  	s14 =	sshra.s32 s13, $0x2;
	s13 =	sadd.s32 $0x800, s13  }
0x1a: {  	s12 =	sadd.s32 $0x1, s12;
	s15 =	sadd.s32 $0x3400, s14  }
0x1b: {  	[tilespmem:s15], [sflag:s12] =	stream.indirect.gather [hbm4b:s3+s8], $0x1, s14, s8, $0xb8;
	[tilespmem:$0x6A00] =	vst v63  }
0x1c: {  	v6 =	vimm.f32 $0.0e+00  }
0x1d: {  	[tilespmem:$0x6800] =	vst v6  }
0x1e: {  	[tilespmem:$0x6810] =	vst v6  }
0x1f: {  	[tilespmem:$0x6820] =	vst v6  }
0x20: {  	[tilespmem:$0x6830] =	vst v6  }
0x21: {  	[tilespmem:$0x6840] =	vst v6  }
0x22: {  	[tilespmem:$0x6850] =	vst v6  }
0x23: {  	[tilespmem:$0x6860] =	vst v6  }
0x24: {  	[tilespmem:$0x6870] =	vst v6  }
0x25: {  	[tilespmem:$0x6880] =	vst v6  }
0x26: {  	[tilespmem:$0x6890] =	vst v6  }
0x27: {  	[tilespmem:$0x68A0] =	vst v6  }
0x28: {  	[tilespmem:$0x68B0] =	vst v6  }
0x29: {  	[tilespmem:$0x68C0] =	vst v6  }
0x2a: {  	[tilespmem:$0x68D0] =	vst v6  }
0x2b: {  	[tilespmem:$0x68E0] =	vst v6  }
0x2c: {  	[tilespmem:$0x68F0] =	vst v6  }
0x2d: {  	[tilespmem:$0x6900] =	vst v6  }
0x2e: {  	[tilespmem:$0x6910] =	vst v6  }
0x2f: {  	[tilespmem:$0x6920] =	vst v6  }
0x30: {  	[tilespmem:$0x6930] =	vst v6  }
0x31: {  	[tilespmem:$0x6940] =	vst v6  }
0x32: {  	[tilespmem:$0x6950] =	vst v6  }
0x33: {  	[tilespmem:$0x6960] =	vst v6  }
0x34: {  	[tilespmem:$0x6970] =	vst v6  }
0x35: {  	[tilespmem:$0x6980] =	vst v6  }
0x36: {  	[tilespmem:$0x6990] =	vst v6  }
0x37: {  	[tilespmem:$0x69A0] =	vst v6  }
0x38: {  	[tilespmem:$0x69B0] =	vst v6  }
0x39: {  	[tilespmem:$0x69C0] =	vst v6  }
0x3a: {  	[tilespmem:$0x69D0] =	vst v6  }
0x3b: {  	[tilespmem:$0x69E0] =	vst v6  }
0x3c: {  	s12 =	simm.s32 $0x2;
	[tilespmem:$0x69F0] =	vst v6  }
0x3d: {  	_ =	swait.ge [sflag:s12], $0x200  }
0x3e: {  	[sflag:s12] =	ssyncset.done $0x0  }
0x3f: {  	[sflag:s12] =	ssyncadd.s32 $0xFFFFFE00  }
0x40: {  	s12 =	simm.s32 $0x3500;
	v0 =	vld [tilespmem:$0x6800]  }
0x41: {  	v1 =	vld [tilespmem:s12+$0xFFFFFF00];
	_ =	sdelay $0x4  }
0x42: {  	v0 =	vadd.f32 v1, v0;
	_ =	sdelay $0x1  }
0x43: {  	v1 =	vld [tilespmem:$0x6810];
	[tilespmem:$0x6800] =	vst v0  }
0x44: {  	v0 =	vld [tilespmem:s12+$0xFFFFFF10];
	_ =	sdelay $0x4  }
0x45: {  	v0 =	vadd.f32 v0, v1;
	_ =	sdelay $0x1  }
0x46: {  	v1 =	vld [tilespmem:$0x6820];
	[tilespmem:$0x6810] =	vst v0  }
0x47: {  	v0 =	vld [tilespmem:s12+$0xFFFFFF20];
	_ =	sdelay $0x4  }
0x48: {  	v0 =	vadd.f32 v0, v1;
	_ =	sdelay $0x1  }
0x49: {  	v1 =	vld [tilespmem:$0x6830];
	[tilespmem:$0x6820] =	vst v0  }
0x4a: {  	v0 =	vld [tilespmem:s12+$0xFFFFFF30];
	_ =	sdelay $0x4  }
0x4b: {  	v0 =	vadd.f32 v0, v1;
	_ =	sdelay $0x1  }
0x4c: {  	v1 =	vld [tilespmem:$0x6840];
	[tilespmem:$0x6830] =	vst v0  }
0x4d: {  	v0 =	vld [tilespmem:s12+$0xFFFFFF40];
	_ =	sdelay $0x4  }
0x4e: {  	v0 =	vadd.f32 v0, v1;
	_ =	sdelay $0x1  }
0x4f: {  	v1 =	vld [tilespmem:$0x6850];
	[tilespmem:$0x6840] =	vst v0  }
0x50: {  	v0 =	vld [tilespmem:s12+$0xFFFFFF50];
	_ =	sdelay $0x4  }
0x51: {  	v0 =	vadd.f32 v0, v1;
	_ =	sdelay $0x1  }
0x52: {  	v1 =	vld [tilespmem:$0x6860];
	[tilespmem:$0x6850] =	vst v0  }
0x53: {  	v0 =	vld [tilespmem:s12+$0xFFFFFF60];
	_ =	sdelay $0x4  }
0x54: {  	v0 =	vadd.f32 v0, v1;
	_ =	sdelay $0x1  }
0x55: {  	v1 =	vld [tilespmem:$0x6870];
	[tilespmem:$0x6860] =	vst v0  }
0x56: {  	v0 =	vld [tilespmem:s12+$0xFFFFFF70];
	_ =	sdelay $0x4  }
0x57: {  	v0 =	vadd.f32 v0, v1;
	_ =	sdelay $0x1  }
0x58: {  	v1 =	vld [tilespmem:$0x6880];
	[tilespmem:$0x6870] =	vst v0  }
0x59: {  	v0 =	vld [tilespmem:s12+$0xFFFFFF80];
	_ =	sdelay $0x4  }
0x5a: {  	v0 =	vadd.f32 v0, v1;
	_ =	sdelay $0x1  }
0x5b: {  	v1 =	vld [tilespmem:$0x6890];
	[tilespmem:$0x6880] =	vst v0  }
0x5c: {  	v0 =	vld [tilespmem:s12+$0xFFFFFF90];
	_ =	sdelay $0x4  }
0x5d: {  	v0 =	vadd.f32 v0, v1;
	_ =	sdelay $0x1  }
0x5e: {  	v1 =	vld [tilespmem:$0x68A0];
	[tilespmem:$0x6890] =	vst v0  }
0x5f: {  	v0 =	vld [tilespmem:s12+$0xFFFFFFA0];
	_ =	sdelay $0x4  }
0x60: {  	v0 =	vadd.f32 v0, v1;
	_ =	sdelay $0x1  }
0x61: {  	v1 =	vld [tilespmem:$0x68B0];
	[tilespmem:$0x68A0] =	vst v0  }
0x62: {  	v0 =	vld [tilespmem:s12+$0xFFFFFFB0];
	_ =	sdelay $0x4  }
0x63: {  	v0 =	vadd.f32 v0, v1;
	_ =	sdelay $0x1  }
0x64: {  	[tilespmem:$0x68B0] =	vst v0  }
0x65: {  	v0 =	vld [tilespmem:s12+$0xFFFFFFC0];
	_ =	sdelay $0x4  }
0x66: {  	v0 =	vadd.f32 v0, v6;
	_ =	sdelay $0x1  }
0x67: {  	[tilespmem:$0x68C0] =	vst v0  }
0x68: {  	v1 =	vld [tilespmem:s12+$0xFFFFFFD0];
	_ =	sdelay $0x4  }
0x69: {  	v1 =	vadd.f32 v1, v6;
	_ =	sdelay $0x1  }
0x6a: {  	[tilespmem:$0x68D0] =	vst v1  }
0x6b: {  	v2 =	vld [tilespmem:s12+$0xFFFFFFE0];
	_ =	sdelay $0x4  }
0x6c: {  	v2 =	vadd.f32 v2, v6;
	_ =	sdelay $0x1  }
0x6d: {  	[tilespmem:$0x68E0] =	vst v2  }
0x6e: {  	v3 =	vld [tilespmem:s12+$0xFFFFFFF0];
	_ =	sdelay $0x4  }
0x6f: {  	v3 =	vadd.f32 v3, v6;
	_ =	sdelay $0x1  }
0x70: {  	[tilespmem:$0x68F0] =	vst v3  }
0x71: {  	v4 =	vld [tilespmem:s12+$0x0];
	_ =	sdelay $0x4  }
0x72: {  	v4 =	vadd.f32 v4, v6;
	_ =	sdelay $0x1  }
0x73: {  	[tilespmem:$0x6900] =	vst v4  }
0x74: {  	v5 =	vld [tilespmem:s12+$0x10];
	_ =	sdelay $0x4  }
0x75: {  	v5 =	vadd.f32 v5, v6;
	_ =	sdelay $0x1  }
0x76: {  	[tilespmem:$0x6910] =	vst v5  }
0x77: {  	v7 =	vld [tilespmem:s12+$0x20];
	_ =	sdelay $0x4  }
0x78: {  	v6 =	vadd.f32 v7, v6;
	_ =	sdelay $0x1  }
0x79: {  	v7 =	vld [tilespmem:$0x6930];
	[tilespmem:$0x6920] =	vst v6  }
0x7a: {  	v8 =	vld [tilespmem:s12+$0x30];
	_ =	sdelay $0x4  }
0x7b: {  	v7 =	vadd.f32 v8, v7;
	_ =	sdelay $0x1  }
0x7c: {  	v8 =	vld [tilespmem:$0x6940];
	[tilespmem:$0x6930] =	vst v7  }
0x7d: {  	v7 =	vld [tilespmem:s12+$0x40];
	_ =	sdelay $0x4  }
0x7e: {  	v7 =	vadd.f32 v7, v8;
	_ =	sdelay $0x1  }
0x7f: {  	v8 =	vld [tilespmem:$0x6950];
	[tilespmem:$0x6940] =	vst v7  }
0x80: {  	v7 =	vld [tilespmem:s12+$0x50];
	_ =	sdelay $0x4  }
0x81: {  	v7 =	vadd.f32 v7, v8;
	_ =	sdelay $0x1  }
0x82: {  	v8 =	vld [tilespmem:$0x6960];
	[tilespmem:$0x6950] =	vst v7  }
0x83: {  	v7 =	vld [tilespmem:s12+$0x60];
	_ =	sdelay $0x4  }
0x84: {  	v7 =	vadd.f32 v7, v8;
	_ =	sdelay $0x1  }
0x85: {  	v8 =	vld [tilespmem:$0x6970];
	[tilespmem:$0x6960] =	vst v7  }
0x86: {  	v7 =	vld [tilespmem:s12+$0x70];
	_ =	sdelay $0x4  }
0x87: {  	v7 =	vadd.f32 v7, v8;
	_ =	sdelay $0x1  }
0x88: {  	v8 =	vld [tilespmem:$0x6980];
	[tilespmem:$0x6970] =	vst v7  }
0x89: {  	v7 =	vld [tilespmem:s12+$0x80];
	_ =	sdelay $0x4  }
0x8a: {  	v7 =	vadd.f32 v7, v8;
	_ =	sdelay $0x1  }
0x8b: {  	v8 =	vld [tilespmem:$0x6990];
	[tilespmem:$0x6980] =	vst v7  }
0x8c: {  	v7 =	vld [tilespmem:s12+$0x90];
	_ =	sdelay $0x4  }
0x8d: {  	v7 =	vadd.f32 v7, v8;
	_ =	sdelay $0x1  }
0x8e: {  	v8 =	vld [tilespmem:$0x69A0];
	[tilespmem:$0x6990] =	vst v7  }
0x8f: {  	v7 =	vld [tilespmem:s12+$0xA0];
	_ =	sdelay $0x4  }
0x90: {  	v7 =	vadd.f32 v7, v8;
	_ =	sdelay $0x1  }
0x91: {  	v8 =	vld [tilespmem:$0x69B0];
	[tilespmem:$0x69A0] =	vst v7  }
0x92: {  	v7 =	vld [tilespmem:s12+$0xB0];
	_ =	sdelay $0x4  }
0x93: {  	v7 =	vadd.f32 v7, v8;
	_ =	sdelay $0x1  }
0x94: {  	v8 =	vld [tilespmem:$0x69C0];
	[tilespmem:$0x69B0] =	vst v7  }
0x95: {  	v7 =	vld [tilespmem:s12+$0xC0];
	_ =	sdelay $0x4  }
0x96: {  	v7 =	vadd.f32 v7, v8;
	_ =	sdelay $0x1  }
0x97: {  	v8 =	vld [tilespmem:$0x69D0];
	[tilespmem:$0x69C0] =	vst v7  }
0x98: {  	v7 =	vld [tilespmem:s12+$0xD0];
	_ =	sdelay $0x4  }
0x99: {  	v7 =	vadd.f32 v7, v8;
	_ =	sdelay $0x1  }
0x9a: {  	v8 =	vld [tilespmem:$0x69E0];
	[tilespmem:$0x69D0] =	vst v7  }
0x9b: {  	v7 =	vld [tilespmem:s12+$0xE0];
	_ =	sdelay $0x4  }
0x9c: {  	v7 =	vadd.f32 v7, v8;
	_ =	sdelay $0x1  }
0x9d: {  	v8 =	vld [tilespmem:$0x69F0];
	[tilespmem:$0x69E0] =	vst v7  }
0x9e: {  	v7 =	vld [tilespmem:s12+$0xF0];
	_ =	sdelay $0x4  }
0x9f: {  	s13 =	simm.s32 $0x4;
	s15 =	simm.s32 $0x8;
	v7 =	vadd.f32 v7, v8  }
.LBB2_6:
0xa0: {  	s16 =	sshra.s32 s13, $0x2  }
0xa1: {  	s12 =	sadd.s32 $0x200, s12;
	s13 =	smov.u32 s15;
	s14 =	sadd.s32 $0x4, s15  }
0xa2: {  	p0 =	sne.s32 s15, $0x64;
	s15 =	sadd.s32 $0x2, s16;
	[tilespmem:$0x69F0] =	vst v7  }
0xa3: {  	_ =	swait.ge [sflag:s15], $0x200  }
0xa4: {  	[sflag:s15] =	ssyncset.done $0x0  }
0xa5: {  	[sflag:s15] =	ssyncadd.s32 $0xFFFFFE00  }
0xa6: {  	v7 =	vld [tilespmem:$0x6800]  }
0xa7: {  	v8 =	vld [tilespmem:s12+$0xFFFFFF00]  }
0xa8: {  	v9 =	vld [tilespmem:$0x6810]  }
0xa9: {  	v10 =	vld [tilespmem:$0x6820]  }
0xaa: {  	v20 =	vld [tilespmem:$0x6830]  }
0xab: {  	v21 =	vld [tilespmem:$0x6840]  }
0xac: {  	v7 =	vadd.f32 v8, v7;
	v22 =	vld [tilespmem:$0x6850]  }
0xad: {  	v23 =	vld [tilespmem:$0x6860]  }
0xae: {  	[tilespmem:$0x6800] =	vst v7;
	v24 =	vld [tilespmem:$0x6870]  }
0xaf: {  	v7 =	vld [tilespmem:s12+$0xFFFFFF10]  }
0xb0: {  	v25 =	vld [tilespmem:$0x6880]  }
0xb1: {  	v26 =	vld [tilespmem:$0x6890]  }
0xb2: {  	v27 =	vld [tilespmem:$0x68A0]  }
0xb3: {  	v28 =	vld [tilespmem:$0x68B0]  }
0xb4: {  	v7 =	vadd.f32 v7, v9;
	v19 =	vld [tilespmem:$0x6930]  }
0xb5: {  	v18 =	vld [tilespmem:$0x6940]  }
0xb6: {  	[tilespmem:$0x6810] =	vst v7;
	v17 =	vld [tilespmem:$0x6950]  }
0xb7: {  	v7 =	vld [tilespmem:s12+$0xFFFFFF20]  }
0xb8: {  	v16 =	vld [tilespmem:$0x6960]  }
0xb9: {  	v15 =	vld [tilespmem:$0x6970]  }
0xba: {  	v14 =	vld [tilespmem:$0x6980]  }
0xbb: {  	v13 =	vld [tilespmem:$0x6990]  }
0xbc: {  	v7 =	vadd.f32 v7, v10;
	v12 =	vld [tilespmem:$0x69A0]  }
0xbd: {  	v11 =	vld [tilespmem:$0x69B0]  }
0xbe: {  	[tilespmem:$0x6820] =	vst v7;
	v10 =	vld [tilespmem:$0x69C0]  }
0xbf: {  	v29 =	vld [tilespmem:s12+$0xFFFFFF30]  }
0xc0: {  	v9 =	vld [tilespmem:$0x69D0]  }
0xc1: {  	v8 =	vld [tilespmem:$0x69E0]  }
0xc2: {  	v7 =	vld [tilespmem:$0x69F0];
	_ =	sdelay $0x1  }
0xc3: {  	v20 =	vadd.f32 v29, v20;
	_ =	sdelay $0x1  }
0xc4: {  	[tilespmem:$0x6830] =	vst v20  }
0xc5: {  	v20 =	vld [tilespmem:s12+$0xFFFFFF40];
	_ =	sdelay $0x4  }
0xc6: {  	v20 =	vadd.f32 v20, v21;
	_ =	sdelay $0x1  }
0xc7: {  	[tilespmem:$0x6840] =	vst v20  }
0xc8: {  	v20 =	vld [tilespmem:s12+$0xFFFFFF50];
	_ =	sdelay $0x4  }
0xc9: {  	v20 =	vadd.f32 v20, v22;
	_ =	sdelay $0x1  }
0xca: {  	[tilespmem:$0x6850] =	vst v20  }
0xcb: {  	v20 =	vld [tilespmem:s12+$0xFFFFFF60];
	_ =	sdelay $0x4  }
0xcc: {  	v20 =	vadd.f32 v20, v23;
	_ =	sdelay $0x1  }
0xcd: {  	[tilespmem:$0x6860] =	vst v20  }
0xce: {  	v20 =	vld [tilespmem:s12+$0xFFFFFF70];
	_ =	sdelay $0x4  }
0xcf: {  	v20 =	vadd.f32 v20, v24;
	_ =	sdelay $0x1  }
0xd0: {  	[tilespmem:$0x6870] =	vst v20  }
0xd1: {  	v20 =	vld [tilespmem:s12+$0xFFFFFF80];
	_ =	sdelay $0x4  }
0xd2: {  	v20 =	vadd.f32 v20, v25;
	_ =	sdelay $0x1  }
0xd3: {  	[tilespmem:$0x6880] =	vst v20  }
0xd4: {  	v20 =	vld [tilespmem:s12+$0xFFFFFF90];
	_ =	sdelay $0x4  }
0xd5: {  	v20 =	vadd.f32 v20, v26;
	_ =	sdelay $0x1  }
0xd6: {  	[tilespmem:$0x6890] =	vst v20  }
0xd7: {  	v20 =	vld [tilespmem:s12+$0xFFFFFFA0];
	_ =	sdelay $0x4  }
0xd8: {  	v20 =	vadd.f32 v20, v27;
	_ =	sdelay $0x1  }
0xd9: {  	[tilespmem:$0x68A0] =	vst v20  }
0xda: {  	v20 =	vld [tilespmem:s12+$0xFFFFFFB0];
	_ =	sdelay $0x4  }
0xdb: {  	v20 =	vadd.f32 v20, v28;
	_ =	sdelay $0x1  }
0xdc: {  	[tilespmem:$0x68B0] =	vst v20  }
0xdd: {  	v20 =	vld [tilespmem:s12+$0xFFFFFFC0];
	_ =	sdelay $0x4  }
0xde: {  	v0 =	vadd.f32 v20, v0;
	_ =	sdelay $0x1  }
0xdf: {  	[tilespmem:$0x68C0] =	vst v0  }
0xe0: {  	v20 =	vld [tilespmem:s12+$0xFFFFFFD0];
	_ =	sdelay $0x4  }
0xe1: {  	v1 =	vadd.f32 v20, v1;
	_ =	sdelay $0x1  }
0xe2: {  	[tilespmem:$0x68D0] =	vst v1  }
0xe3: {  	v20 =	vld [tilespmem:s12+$0xFFFFFFE0];
	_ =	sdelay $0x4  }
0xe4: {  	v2 =	vadd.f32 v20, v2;
	_ =	sdelay $0x1  }
0xe5: {  	[tilespmem:$0x68E0] =	vst v2  }
0xe6: {  	v20 =	vld [tilespmem:s12+$0xFFFFFFF0];
	_ =	sdelay $0x4  }
0xe7: {  	v3 =	vadd.f32 v20, v3;
	_ =	sdelay $0x1  }
0xe8: {  	[tilespmem:$0x68F0] =	vst v3  }
0xe9: {  	v20 =	vld [tilespmem:s12+$0x0];
	_ =	sdelay $0x4  }
0xea: {  	v4 =	vadd.f32 v20, v4;
	_ =	sdelay $0x1  }
0xeb: {  	[tilespmem:$0x6900] =	vst v4  }
0xec: {  	v20 =	vld [tilespmem:s12+$0x10];
	_ =	sdelay $0x4  }
0xed: {  	v5 =	vadd.f32 v20, v5;
	_ =	sdelay $0x1  }
0xee: {  	[tilespmem:$0x6910] =	vst v5  }
0xef: {  	v20 =	vld [tilespmem:s12+$0x20];
	_ =	sdelay $0x4  }
0xf0: {  	v6 =	vadd.f32 v20, v6;
	_ =	sdelay $0x1  }
0xf1: {  	[tilespmem:$0x6920] =	vst v6  }
0xf2: {  	v20 =	vld [tilespmem:s12+$0x30];
	_ =	sdelay $0x4  }
0xf3: {  	v19 =	vadd.f32 v20, v19;
	_ =	sdelay $0x1  }
0xf4: {  	[tilespmem:$0x6930] =	vst v19  }
0xf5: {  	v19 =	vld [tilespmem:s12+$0x40];
	_ =	sdelay $0x4  }
0xf6: {  	v18 =	vadd.f32 v19, v18;
	_ =	sdelay $0x1  }
0xf7: {  	[tilespmem:$0x6940] =	vst v18  }
0xf8: {  	v18 =	vld [tilespmem:s12+$0x50];
	_ =	sdelay $0x4  }
0xf9: {  	v17 =	vadd.f32 v18, v17;
	_ =	sdelay $0x1  }
0xfa: {  	[tilespmem:$0x6950] =	vst v17  }
0xfb: {  	v17 =	vld [tilespmem:s12+$0x60];
	_ =	sdelay $0x4  }
0xfc: {  	v16 =	vadd.f32 v17, v16;
	_ =	sdelay $0x1  }
0xfd: {  	[tilespmem:$0x6960] =	vst v16  }
0xfe: {  	v16 =	vld [tilespmem:s12+$0x70];
	_ =	sdelay $0x4  }
0xff: {  	v15 =	vadd.f32 v16, v15;
	_ =	sdelay $0x1  }
0x100: {  	[tilespmem:$0x6970] =	vst v15  }
0x101: {  	v15 =	vld [tilespmem:s12+$0x80];
	_ =	sdelay $0x4  }
0x102: {  	v14 =	vadd.f32 v15, v14;
	_ =	sdelay $0x1  }
0x103: {  	[tilespmem:$0x6980] =	vst v14  }
0x104: {  	v14 =	vld [tilespmem:s12+$0x90];
	_ =	sdelay $0x4  }
0x105: {  	v13 =	vadd.f32 v14, v13;
	_ =	sdelay $0x1  }
0x106: {  	[tilespmem:$0x6990] =	vst v13  }
0x107: {  	v13 =	vld [tilespmem:s12+$0xA0];
	_ =	sdelay $0x4  }
0x108: {  	v12 =	vadd.f32 v13, v12;
	_ =	sdelay $0x1  }
0x109: {  	[tilespmem:$0x69A0] =	vst v12  }
0x10a: {  	v12 =	vld [tilespmem:s12+$0xB0];
	_ =	sdelay $0x4  }
0x10b: {  	v11 =	vadd.f32 v12, v11;
	_ =	sdelay $0x1  }
0x10c: {  	[tilespmem:$0x69B0] =	vst v11  }
0x10d: {  	v11 =	vld [tilespmem:s12+$0xC0];
	_ =	sdelay $0x4  }
0x10e: {  	v10 =	vadd.f32 v11, v10;
	_ =	sdelay $0x1  }
0x10f: {  	[tilespmem:$0x69C0] =	vst v10  }
0x110: {  	v10 =	vld [tilespmem:s12+$0xD0];
	_ =	sdelay $0x4  }
0x111: {  	v9 =	vadd.f32 v10, v9;
	_ =	sdelay $0x1  }
0x112: {  	[tilespmem:$0x69D0] =	vst v9  }
0x113: {  	v9 =	vld [tilespmem:s12+$0xE0];
	_ =	sdelay $0x4  }
0x114: {  	v8 =	vadd.f32 v9, v8;
	_ =	sdelay $0x1  }
0x115: {  	[tilespmem:$0x69E0] =	vst v8  }
0x116: {  	v8 =	vld [tilespmem:s12+$0xF0]  }
.Ltmp2:
0x117: {  	(pc) =	sbr.rel @p0 .LBB2_6-.Ltmp2, $2  }
0x118: {  	_ =	sdelay $0x2  }
0x119: {  	s15 =	smov.u32 s14;
	v7 =	vadd.f32 v8, v7  }
0x11a: {  	s13 =	sshra.s32 s13, $0x2  }
0x11b: {  	s13 =	sadd.s32 $0x2, s13;
	[tilespmem:$0x69F0] =	vst v7  }
0x11c: {  	_ =	swait.ge [sflag:s13], $0x200  }
0x11d: {  	[sflag:s13] =	ssyncset.done $0x0  }
0x11e: {  	[sflag:s13] =	ssyncadd.s32 $0xFFFFFE00  }
0x11f: {  	s12 =	sadd.s32 $0x200, s12;
	v39 =	vld [tilespmem:$0x6800]  }
0x120: {  	v8 =	vld [tilespmem:s12+$0xFFFFFF00];
	_ =	sdelay $0x4  }
0x121: {  	v7 =	vadd.f32 v8, v39;
	_ =	sdelay $0x1  }
0x122: {  	v40 =	vld [tilespmem:$0x6810];
	[tilespmem:$0x6800] =	vst v7  }
0x123: {  	v7 =	vld [tilespmem:s12+$0xFFFFFF10];
	_ =	sdelay $0x4  }
0x124: {  	v7 =	vadd.f32 v7, v40;
	_ =	sdelay $0x1  }
0x125: {  	v41 =	vld [tilespmem:$0x6820];
	[tilespmem:$0x6810] =	vst v7  }
0x126: {  	v7 =	vld [tilespmem:s12+$0xFFFFFF20];
	_ =	sdelay $0x4  }
0x127: {  	v7 =	vadd.f32 v7, v41;
	_ =	sdelay $0x1  }
0x128: {  	v42 =	vld [tilespmem:$0x6830];
	[tilespmem:$0x6820] =	vst v7  }
0x129: {  	v7 =	vld [tilespmem:s12+$0xFFFFFF30];
	_ =	sdelay $0x4  }
0x12a: {  	v7 =	vadd.f32 v7, v42;
	_ =	sdelay $0x1  }
0x12b: {  	v43 =	vld [tilespmem:$0x6840];
	[tilespmem:$0x6830] =	vst v7  }
0x12c: {  	v7 =	vld [tilespmem:s12+$0xFFFFFF40];
	_ =	sdelay $0x4  }
0x12d: {  	v7 =	vadd.f32 v7, v43;
	_ =	sdelay $0x1  }
0x12e: {  	v44 =	vld [tilespmem:$0x6850];
	[tilespmem:$0x6840] =	vst v7  }
0x12f: {  	v7 =	vld [tilespmem:s12+$0xFFFFFF50];
	_ =	sdelay $0x4  }
0x130: {  	v7 =	vadd.f32 v7, v44;
	_ =	sdelay $0x1  }
0x131: {  	v45 =	vld [tilespmem:$0x6860];
	[tilespmem:$0x6850] =	vst v7  }
0x132: {  	v7 =	vld [tilespmem:s12+$0xFFFFFF60];
	_ =	sdelay $0x4  }
0x133: {  	v7 =	vadd.f32 v7, v45;
	_ =	sdelay $0x1  }
0x134: {  	v46 =	vld [tilespmem:$0x6870];
	[tilespmem:$0x6860] =	vst v7  }
0x135: {  	v7 =	vld [tilespmem:s12+$0xFFFFFF70];
	_ =	sdelay $0x4  }
0x136: {  	v7 =	vadd.f32 v7, v46;
	_ =	sdelay $0x1  }
0x137: {  	v47 =	vld [tilespmem:$0x6880];
	[tilespmem:$0x6870] =	vst v7  }
0x138: {  	v7 =	vld [tilespmem:s12+$0xFFFFFF80];
	_ =	sdelay $0x4  }
0x139: {  	v7 =	vadd.f32 v7, v47;
	_ =	sdelay $0x1  }
0x13a: {  	v48 =	vld [tilespmem:$0x6890];
	[tilespmem:$0x6880] =	vst v7  }
0x13b: {  	v7 =	vld [tilespmem:s12+$0xFFFFFF90];
	_ =	sdelay $0x4  }
0x13c: {  	v7 =	vadd.f32 v7, v48;
	_ =	sdelay $0x1  }
0x13d: {  	v49 =	vld [tilespmem:$0x68A0];
	[tilespmem:$0x6890] =	vst v7  }
0x13e: {  	v7 =	vld [tilespmem:s12+$0xFFFFFFA0];
	_ =	sdelay $0x4  }
0x13f: {  	v7 =	vadd.f32 v7, v49;
	_ =	sdelay $0x1  }
0x140: {  	v50 =	vld [tilespmem:$0x68B0];
	[tilespmem:$0x68A0] =	vst v7  }
0x141: {  	v7 =	vld [tilespmem:s12+$0xFFFFFFB0];
	_ =	sdelay $0x4  }
0x142: {  	v7 =	vadd.f32 v7, v50;
	_ =	sdelay $0x1  }
0x143: {  	[tilespmem:$0x68B0] =	vst v7  }
0x144: {  	v7 =	vld [tilespmem:s12+$0xFFFFFFC0];
	_ =	sdelay $0x4  }
0x145: {  	v0 =	vadd.f32 v7, v0;
	_ =	sdelay $0x1  }
0x146: {  	[tilespmem:$0x68C0] =	vst v0  }
0x147: {  	v0 =	vld [tilespmem:s12+$0xFFFFFFD0];
	_ =	sdelay $0x4  }
0x148: {  	v0 =	vadd.f32 v0, v1;
	_ =	sdelay $0x1  }
0x149: {  	[tilespmem:$0x68D0] =	vst v0  }
0x14a: {  	v0 =	vld [tilespmem:s12+$0xFFFFFFE0];
	_ =	sdelay $0x4  }
0x14b: {  	v0 =	vadd.f32 v0, v2;
	_ =	sdelay $0x1  }
0x14c: {  	[tilespmem:$0x68E0] =	vst v0  }
0x14d: {  	v0 =	vld [tilespmem:s12+$0xFFFFFFF0];
	_ =	sdelay $0x4  }
0x14e: {  	v0 =	vadd.f32 v0, v3;
	_ =	sdelay $0x1  }
0x14f: {  	[tilespmem:$0x68F0] =	vst v0  }
0x150: {  	v0 =	vld [tilespmem:s12+$0x0];
	_ =	sdelay $0x4  }
0x151: {  	v0 =	vadd.f32 v0, v4;
	_ =	sdelay $0x1  }
0x152: {  	[tilespmem:$0x6900] =	vst v0  }
0x153: {  	v0 =	vld [tilespmem:s12+$0x10];
	_ =	sdelay $0x4  }
0x154: {  	v0 =	vadd.f32 v0, v5;
	_ =	sdelay $0x1  }
0x155: {  	[tilespmem:$0x6910] =	vst v0  }
0x156: {  	v0 =	vld [tilespmem:s12+$0x20];
	_ =	sdelay $0x4  }
0x157: {  	v0 =	vadd.f32 v0, v6;
	_ =	sdelay $0x1  }
0x158: {  	v51 =	vld [tilespmem:$0x6930];
	[tilespmem:$0x6920] =	vst v0  }
0x159: {  	v0 =	vld [tilespmem:s12+$0x30];
	_ =	sdelay $0x4  }
0x15a: {  	v0 =	vadd.f32 v0, v51;
	_ =	sdelay $0x1  }
0x15b: {  	v52 =	vld [tilespmem:$0x6940];
	[tilespmem:$0x6930] =	vst v0  }
0x15c: {  	v0 =	vld [tilespmem:s12+$0x40];
	_ =	sdelay $0x4  }
0x15d: {  	v0 =	vadd.f32 v0, v52;
	_ =	sdelay $0x1  }
0x15e: {  	v53 =	vld [tilespmem:$0x6950];
	[tilespmem:$0x6940] =	vst v0  }
0x15f: {  	v0 =	vld [tilespmem:s12+$0x50];
	_ =	sdelay $0x4  }
0x160: {  	v0 =	vadd.f32 v0, v53;
	_ =	sdelay $0x1  }
0x161: {  	v54 =	vld [tilespmem:$0x6960];
	[tilespmem:$0x6950] =	vst v0  }
0x162: {  	v0 =	vld [tilespmem:s12+$0x60];
	_ =	sdelay $0x4  }
0x163: {  	v0 =	vadd.f32 v0, v54;
	_ =	sdelay $0x1  }
0x164: {  	v55 =	vld [tilespmem:$0x6970];
	[tilespmem:$0x6960] =	vst v0  }
0x165: {  	v0 =	vld [tilespmem:s12+$0x70];
	_ =	sdelay $0x4  }
0x166: {  	v0 =	vadd.f32 v0, v55;
	_ =	sdelay $0x1  }
0x167: {  	v56 =	vld [tilespmem:$0x6980];
	[tilespmem:$0x6970] =	vst v0  }
0x168: {  	v0 =	vld [tilespmem:s12+$0x80];
	_ =	sdelay $0x4  }
0x169: {  	v0 =	vadd.f32 v0, v56;
	_ =	sdelay $0x1  }
0x16a: {  	v57 =	vld [tilespmem:$0x6990];
	[tilespmem:$0x6980] =	vst v0  }
0x16b: {  	v0 =	vld [tilespmem:s12+$0x90];
	_ =	sdelay $0x4  }
0x16c: {  	v0 =	vadd.f32 v0, v57;
	_ =	sdelay $0x1  }
0x16d: {  	v58 =	vld [tilespmem:$0x69A0];
	[tilespmem:$0x6990] =	vst v0  }
0x16e: {  	v0 =	vld [tilespmem:s12+$0xA0];
	_ =	sdelay $0x4  }
0x16f: {  	v0 =	vadd.f32 v0, v58;
	_ =	sdelay $0x1  }
0x170: {  	v59 =	vld [tilespmem:$0x69B0];
	[tilespmem:$0x69A0] =	vst v0  }
0x171: {  	v0 =	vld [tilespmem:s12+$0xB0];
	_ =	sdelay $0x4  }
0x172: {  	v0 =	vadd.f32 v0, v59;
	_ =	sdelay $0x1  }
0x173: {  	v60 =	vld [tilespmem:$0x69C0];
	[tilespmem:$0x69B0] =	vst v0  }
0x174: {  	v0 =	vld [tilespmem:s12+$0xC0];
	_ =	sdelay $0x4  }
0x175: {  	v0 =	vadd.f32 v0, v60;
	_ =	sdelay $0x1  }
0x176: {  	v61 =	vld [tilespmem:$0x69D0];
	[tilespmem:$0x69C0] =	vst v0  }
0x177: {  	v0 =	vld [tilespmem:s12+$0xD0];
	_ =	sdelay $0x4  }
0x178: {  	v0 =	vadd.f32 v0, v61;
	_ =	sdelay $0x1  }
0x179: {  	v62 =	vld [tilespmem:$0x69E0];
	[tilespmem:$0x69D0] =	vst v0  }
0x17a: {  	v0 =	vld [tilespmem:s12+$0xE0];
	_ =	sdelay $0x4  }
0x17b: {  	v0 =	vadd.f32 v0, v62;
	_ =	sdelay $0x1  }
0x17c: {  	v63 =	vld [tilespmem:$0x69F0];
	[tilespmem:$0x69E0] =	vst v0  }
0x17d: {  	v0 =	vld [tilespmem:s12+$0xF0];
	_ =	sdelay $0x4  }
0x17e: {  	s11 =	sadd.s32 $0x1, s11;
	v0 =	vadd.f32 v0, v63  }
0x17f: {  	p0 =	sne.s32 s11, s5  }
.Ltmp3:
0x180: {  	[tilespmem:$0x69F0] =	vst v0;
	(pc) =	sbr.rel @p0 .LBB2_1-.Ltmp3, $4  }
0x181: {  	[hbm4b:s4+s2] =	stream.linear.scatter [tilespmem:s9], [sflag:$0x1C], $0x200, $0x38;
	[tilespmem:$0x6A00] =	vst v63  }
0x182: {  	_ =	swait.ge [sflag:s10], $0x200  }
0x183: {  	[sflag:s10] =	ssyncset.done $0x0  }
0x184: {  	[sflag:s10] =	ssyncadd.s32 $0xFFFFFE00  }
0x185: {  	_ =	sfence.sel $0x180000  }
0x186: {  	[bflag:$0x0] =	sbarrier.arrive $0xFFFF  }
0x187: {  	p0 =	sne.s32 s1, $0x0;
	_ =	strace $0x90000047  }
0x188: {  	s0 =	sadd.s32 @!p0 $0x100000, s0;
	[bflag:$0x2] =	sbarrier.arrive $0xFFFF  }
0x189: {  	[sflag:s0] =	ssyncadd.tile.s32 @!p0 $0x1;
	_ =	shalt  }
.Lfunc_end2:
_tile_overlayer_lowered:
.L_overlay_start_2:
0x18a: {  	(tag) =	ssettag $0x2  }
0x18b: {  	s0 =	rddreg [dreg:$0x0];
	s2 =	stileid.u32  }
0x18c: {  	s1 =	rddreg [dreg:$0x1];
	p0 =	sne.s32 s2, $0x0  }
0x18d: {  	s3 =	rddreg [dreg:$0x2];
	[bflag:$0x3] =	sbarrier.arrive $0xFFFF;
	s2 =	simm.s32 @!p0 $0x1C1C  }
0x18e: {  	[timem:s3], [sflag:s2] =	dma.local @!p0 [hbm:s0], s1  }
0x18f: {  	s0 =	simm.s32 @!p0 $0x1C  }
0x190: {  	_ =	swait.ge @!p0 [sflag:s0], s1  }
0x191: {  	s1 =	ssub.s32 @!p0 $0x0, s1;
	[sflag:s0] =	ssyncset.done @!p0 $0x0  }
0x192: {  	[sflag:s0] =	ssyncadd.s32 @!p0 s1  }
0x193: {  	[bflag:$0x3] =	sbarrier.arrive $0xFFFF  }
0x194: {  	_ =	shalt  }

</sc_bundles>
